<compile_context>
chip_gen: v7x
topology: tpu7x:2x2x1
jax: 0.10.2.dev20260603
libtpu: 0.0.44.dev20260713+nightly
codegen_flags: <defaults>
</compile_context>

<pallas_src>
import functools

import jax
import jax.numpy as jnp
from jax import lax
from jax.experimental import pallas as pl
from jax.experimental.pallas import tpu as pltpu
from jax.experimental.pallas import tpu_sc as plsc

_BATCH = 16384
_HIST = 50
_DIM = 32
_N = _BATCH * _HIST
_NC = 2
_NS = 16
_NW = _NC * _NS
_BB = _BATCH // _NW
_L = 16


@functools.partial(
    pl.kernel,
    out_type=jax.ShapeDtypeStruct((_HIST, _DIM, _BATCH), jnp.float32),
    mesh=plsc.VectorSubcoreMesh(core_axis_name="c", subcore_axis_name="s"),
    scratch_types=[
        pltpu.VMEM((_BB * _HIST,), jnp.int32),
        pltpu.VMEM((_HIST, _BB), jnp.int32),
        pltpu.VMEM((_BB, _DIM), jnp.float32),
        pltpu.VMEM((_BB, _DIM), jnp.float32),
        pltpu.VMEM((_DIM, _BB + 17), jnp.float32),
        pltpu.VMEM((_DIM, _BB + 17), jnp.float32),
        pltpu.SemaphoreType.DMA,
        pltpu.SemaphoreType.DMA,
        pltpu.SemaphoreType.DMA,
        pltpu.SemaphoreType.DMA,
    ],
    compiler_params=pltpu.CompilerParams(use_tc_tiling_on_sc=False, needs_layout_passes=False),
)
def _gather_kernel(idx_hbm, table_hbm, out_hbm, idx_v, idxT, rows0, rows1,
                   t0, t1, g0, g1, s0, s1):
    wid = lax.axis_index("s") * _NC + lax.axis_index("c")
    b0 = wid * _BB
    rows = (rows0, rows1)
    tbuf = (t0, t1)
    gsem = (g0, g1)
    ssem = (s0, s1)
    iota = lax.iota(jnp.int32, _L)
    cols = tuple(jnp.full((_L,), j, jnp.int32) for j in range(_DIM))

    pltpu.sync_copy(idx_hbm.at[pl.ds(b0 * _HIST, _BB * _HIST)], idx_v)

    def idx_t(h, _):
        @plsc.parallel_loop(0, _BB // _L, unroll=2)
        def _(k):
            src = (k * _L + iota) * _HIST + h
            idxT[h, pl.ds(k * _L, _L)] = plsc.load_gather(idx_v, [src])
        return ()
    lax.fori_loop(0, _HIST, idx_t, ())

    def gather(h, b):
        return pltpu.async_copy(table_hbm.at[idxT.at[h]], rows[b], gsem[b])

    def gather_wait(h, b):
        pltpu.make_async_copy(
            table_hbm.at[idxT.at[h]], rows[b], gsem[b]).wait()

    def store(h, b):
        return pltpu.async_copy(
            tbuf[b].at[:, pl.ds(0, _BB)],
            out_hbm.at[h, :, pl.ds(b0, _BB)], ssem[b])

    def store_wait(h, b):
        pltpu.make_async_copy(
            tbuf[b].at[:, pl.ds(0, _BB)],
            out_hbm.at[h, :, pl.ds(b0, _BB)], ssem[b]).wait()

    gather(0, 0)

    def pair(g, _):
        for b in (0, 1):
            h = 2 * g + b
            gather_wait(h, b)
            @pl.when(h + 1 < _HIST)
            def _():
                gather(h + 1, 1 - b)
            @pl.when(h >= 2)
            def _():
                store_wait(h - 2, b)

            @plsc.parallel_loop(0, _BB, unroll=8)
            def _(r, b=b):
                col = jnp.broadcast_to(r, (_L,)).astype(jnp.int32)
                for u in range(_DIM // _L):
                    v = rows[b][r, pl.ds(u * _L, _L)]
                    plsc.store_scatter(tbuf[b], [iota + u * _L, col], v)

            store(h, b)
        return ()

    lax.fori_loop(0, _HIST // 2, pair, ())
    store_wait(_HIST - 2, 0)
    store_wait(_HIST - 1, 1)


def kernel(batch, table):
    idx = batch.reshape(_N).astype(jnp.int32)
    out = _gather_kernel(idx, table)
    return out.transpose(2, 0, 1)

# --- scband reference (transcript-rebuilt; emitter-appended) ---
"""Pipeline reference for scband-pre-trained-embedding-55946243997949 (READ-ONLY COPY).

The authoritative reference and input builder live on the scoring server;
editing this copy changes nothing except your own understanding.
"""

import jax, jax.numpy as jnp
import numpy as np

VOCAB = 1000000
EMBED_DIM = 32
BATCH = 16384
HIST = 50

def setup_inputs(seed: int = 0) -> dict:
    key = jax.random.key(seed)
    k1, k2 = jax.random.split(key)
    batch = jax.random.randint(k1, (BATCH, HIST), 0, VOCAB, dtype=jnp.int64)
    table = jax.random.normal(k2, (VOCAB, EMBED_DIM), dtype=jnp.float32)
    return {"batch": batch, "table": table}

def reference(batch, table):
    # nn.Embedding forward: row gather from the embedding table
    embedding = jnp.take(table, batch, axis=0)
    return embedding

if __name__ == "__main__":
    import jax
    _d = setup_inputs()
    print(jax.jit(kernel)(*tuple(_d.values())))

</pallas_src>

<mosaic_0001>
#map = affine_map<(d0, d1) -> (0)>
#map1 = affine_map<(d0, d1) -> (0, 0)>
#map2 = affine_map<(d0, d1) -> (0, 0, 0)>
module attributes {stable_mosaic.version = 14 : i64} {
  func.func @_gather_kernel(%arg0: i32, %arg1: i32, %arg2: memref<819200xi32, #tpu.memory_space<hbm>>, %arg3: memref<1000000x32xf32, #tpu.memory_space<hbm>>, %arg4: memref<50x32x16384xf32, #tpu.memory_space<hbm>>, %arg5: memref<25600xi32, #tpu.memory_space<vmem>>, %arg6: memref<50x512xi32, #tpu.memory_space<vmem>>, %arg7: memref<512x32xf32, #tpu.memory_space<vmem>>, %arg8: memref<512x32xf32, #tpu.memory_space<vmem>>, %arg9: memref<32x529xf32, #tpu.memory_space<vmem>>, %arg10: memref<32x529xf32, #tpu.memory_space<vmem>>, %arg11: memref<!tpu.dma_semaphore, #tpu.memory_space<semaphore_mem>>, %arg12: memref<!tpu.dma_semaphore, #tpu.memory_space<semaphore_mem>>, %arg13: memref<!tpu.dma_semaphore, #tpu.memory_space<semaphore_mem>>, %arg14: memref<!tpu.dma_semaphore, #tpu.memory_space<semaphore_mem>>) attributes {dimension_semantics = [#tpu.dimension_semantics<core_parallel>, #tpu.dimension_semantics<subcore_parallel>], iteration_bounds = array<i64: 2, 16>, scalar_prefetch = 0 : i64, scratch_operands = 10 : i64, tpu.core_type = #tpu.core_type<sc_vector_subcore>, window_params = [{transform_indices = #map}, {transform_indices = #map1}, {transform_indices = #map2}]} {
    %mul3A = arith.constant 2 : i32
    %mul3A_0 = arith.muli %arg1, %mul3A : i32
    %add3A = arith.addi %mul3A_0, %arg0 : i32
    %mul3A_1 = arith.constant 512 : i32
    %mul3A_2 = arith.muli %add3A, %mul3A_1 : i32
    %iota3A = tpu.iota {dimensions = array<i32: 0>} : vector<16xi32>
    %broadcast_in_dim3A = arith.constant 0 : i32
    %broadcast_in_dim3A_3 = vector.broadcast %broadcast_in_dim3A : i32 to vector<16xi32>
    %broadcast_in_dim3A_4 = arith.constant 1 : i32
    %broadcast_in_dim3A_5 = vector.broadcast %broadcast_in_dim3A_4 : i32 to vector<16xi32>
    %broadcast_in_dim3A_6 = arith.constant 2 : i32
    %broadcast_in_dim3A_7 = vector.broadcast %broadcast_in_dim3A_6 : i32 to vector<16xi32>
    %broadcast_in_dim3A_8 = arith.constant 3 : i32
    %broadcast_in_dim3A_9 = vector.broadcast %broadcast_in_dim3A_8 : i32 to vector<16xi32>
    %broadcast_in_dim3A_10 = arith.constant 4 : i32
    %broadcast_in_dim3A_11 = vector.broadcast %broadcast_in_dim3A_10 : i32 to vector<16xi32>
    %broadcast_in_dim3A_12 = arith.constant 5 : i32
    %broadcast_in_dim3A_13 = vector.broadcast %broadcast_in_dim3A_12 : i32 to vector<16xi32>
    %broadcast_in_dim3A_14 = arith.constant 6 : i32
    %broadcast_in_dim3A_15 = vector.broadcast %broadcast_in_dim3A_14 : i32 to vector<16xi32>
    %broadcast_in_dim3A_16 = arith.constant 7 : i32
    %broadcast_in_dim3A_17 = vector.broadcast %broadcast_in_dim3A_16 : i32 to vector<16xi32>
    %broadcast_in_dim3A_18 = arith.constant 8 : i32
    %broadcast_in_dim3A_19 = vector.broadcast %broadcast_in_dim3A_18 : i32 to vector<16xi32>
    %broadcast_in_dim3A_20 = arith.constant 9 : i32
    %broadcast_in_dim3A_21 = vector.broadcast %broadcast_in_dim3A_20 : i32 to vector<16xi32>
    %broadcast_in_dim3A_22 = arith.constant 10 : i32
    %broadcast_in_dim3A_23 = vector.broadcast %broadcast_in_dim3A_22 : i32 to vector<16xi32>
    %broadcast_in_dim3A_24 = arith.constant 11 : i32
    %broadcast_in_dim3A_25 = vector.broadcast %broadcast_in_dim3A_24 : i32 to vector<16xi32>
    %broadcast_in_dim3A_26 = arith.constant 12 : i32
    %broadcast_in_dim3A_27 = vector.broadcast %broadcast_in_dim3A_26 : i32 to vector<16xi32>
    %broadcast_in_dim3A_28 = arith.constant 13 : i32
    %broadcast_in_dim3A_29 = vector.broadcast %broadcast_in_dim3A_28 : i32 to vector<16xi32>
    %broadcast_in_dim3A_30 = arith.constant 14 : i32
    %broadcast_in_dim3A_31 = vector.broadcast %broadcast_in_dim3A_30 : i32 to vector<16xi32>
    %broadcast_in_dim3A_32 = arith.constant 15 : i32
    %broadcast_in_dim3A_33 = vector.broadcast %broadcast_in_dim3A_32 : i32 to vector<16xi32>
    %broadcast_in_dim3A_34 = arith.constant 16 : i32
    %broadcast_in_dim3A_35 = vector.broadcast %broadcast_in_dim3A_34 : i32 to vector<16xi32>
    %broadcast_in_dim3A_36 = arith.constant 17 : i32
    %broadcast_in_dim3A_37 = vector.broadcast %broadcast_in_dim3A_36 : i32 to vector<16xi32>
    %broadcast_in_dim3A_38 = arith.constant 18 : i32
    %broadcast_in_dim3A_39 = vector.broadcast %broadcast_in_dim3A_38 : i32 to vector<16xi32>
    %broadcast_in_dim3A_40 = arith.constant 19 : i32
    %broadcast_in_dim3A_41 = vector.broadcast %broadcast_in_dim3A_40 : i32 to vector<16xi32>
    %broadcast_in_dim3A_42 = arith.constant 20 : i32
    %broadcast_in_dim3A_43 = vector.broadcast %broadcast_in_dim3A_42 : i32 to vector<16xi32>
    %broadcast_in_dim3A_44 = arith.constant 21 : i32
    %broadcast_in_dim3A_45 = vector.broadcast %broadcast_in_dim3A_44 : i32 to vector<16xi32>
    %broadcast_in_dim3A_46 = arith.constant 22 : i32
    %broadcast_in_dim3A_47 = vector.broadcast %broadcast_in_dim3A_46 : i32 to vector<16xi32>
    %broadcast_in_dim3A_48 = arith.constant 23 : i32
    %broadcast_in_dim3A_49 = vector.broadcast %broadcast_in_dim3A_48 : i32 to vector<16xi32>
    %broadcast_in_dim3A_50 = arith.constant 24 : i32
    %broadcast_in_dim3A_51 = vector.broadcast %broadcast_in_dim3A_50 : i32 to vector<16xi32>
    %broadcast_in_dim3A_52 = arith.constant 25 : i32
    %broadcast_in_dim3A_53 = vector.broadcast %broadcast_in_dim3A_52 : i32 to vector<16xi32>
    %broadcast_in_dim3A_54 = arith.constant 26 : i32
    %broadcast_in_dim3A_55 = vector.broadcast %broadcast_in_dim3A_54 : i32 to vector<16xi32>
    %broadcast_in_dim3A_56 = arith.constant 27 : i32
    %broadcast_in_dim3A_57 = vector.broadcast %broadcast_in_dim3A_56 : i32 to vector<16xi32>
    %broadcast_in_dim3A_58 = arith.constant 28 : i32
    %broadcast_in_dim3A_59 = vector.broadcast %broadcast_in_dim3A_58 : i32 to vector<16xi32>
    %broadcast_in_dim3A_60 = arith.constant 29 : i32
    %broadcast_in_dim3A_61 = vector.broadcast %broadcast_in_dim3A_60 : i32 to vector<16xi32>
    %broadcast_in_dim3A_62 = arith.constant 30 : i32
    %broadcast_in_dim3A_63 = vector.broadcast %broadcast_in_dim3A_62 : i32 to vector<16xi32>
    %broadcast_in_dim3A_64 = arith.constant 31 : i32
    %broadcast_in_dim3A_65 = vector.broadcast %broadcast_in_dim3A_64 : i32 to vector<16xi32>
    %mul3A_66 = arith.constant 50 : i32
    %mul3A_67 = arith.muli %mul3A_2, %mul3A_66 : i32
    "tpu.region"() ({
      %run_scoped3A = tpu.sem_alloc : memref<!tpu.dma_semaphore, #tpu.memory_space<semaphore_mem>>
      %dma_start3A_108 = tpu.memref_slice %arg2[%mul3A_67] : memref<819200xi32, #tpu.memory_space<hbm>> -> memref<25600xi32, #tpu.memory_space<hbm>>
      %dma_start3A_109 = tpu.memref_slice %arg2[%mul3A_67] : memref<819200xi32, #tpu.memory_space<hbm>> -> memref<25600xi32, #tpu.memory_space<hbm>>
      tpu.enqueue_dma source(%dma_start3A_109 : memref<25600xi32, #tpu.memory_space<hbm>>) target(%arg5 : memref<25600xi32, #tpu.memory_space<vmem>>) target_semaphore(%run_scoped3A : memref<!tpu.dma_semaphore, #tpu.memory_space<semaphore_mem>>)
      %dma_wait3A_110 = tpu.memref_slice %arg2[%mul3A_67] : memref<819200xi32, #tpu.memory_space<hbm>> -> memref<25600xi32, #tpu.memory_space<hbm>>
      %dma_wait3A_111 = tpu.memref_slice %arg2[%mul3A_67] : memref<819200xi32, #tpu.memory_space<hbm>> -> memref<25600xi32, #tpu.memory_space<hbm>>
      tpu.wait_dma2 semaphore(%run_scoped3A : memref<!tpu.dma_semaphore, #tpu.memory_space<semaphore_mem>>) src(%dma_wait3A_111 : memref<25600xi32, #tpu.memory_space<hbm>>) dst(%arg5 : memref<25600xi32, #tpu.memory_space<vmem>>)
      tpu.yield
    }) : () -> ()
    %scan3A = arith.constant 0 : i32
    %scan3A_68 = arith.constant 50 : i32
    %scan3A_69 = arith.addi %scan3A, %scan3A_68 : i32
    %scan3A_70 = arith.constant 1 : i32
    scf.for %scan3A_108 = %scan3A to %scan3A_69 step %scan3A_70  : i32 {
      %parallel_loop3A = arith.constant 0 : i32
      %parallel_loop3A_109 = arith.constant 32 : i32
      %parallel_loop3A_110 = arith.constant 1 : i32
      scf.for %parallel_loop3A_111 = %parallel_loop3A to %parallel_loop3A_109 step %parallel_loop3A_110  : i32 {
        %parallel_loop3A_112 = arith.constant 16 : i32
        %parallel_loop3A_113 = arith.muli %parallel_loop3A_111, %parallel_loop3A_112 : i32
        %parallel_loop3A_114 = vector.broadcast %parallel_loop3A_113 : i32 to vector<16xi32>
        %parallel_loop3A_115 = arith.addi %parallel_loop3A_114, %iota3A : vector<16xi32>
        %parallel_loop3A_116 = arith.constant 50 : i32
        %parallel_loop3A_117 = vector.broadcast %parallel_loop3A_116 : i32 to vector<16xi32>
        %parallel_loop3A_118 = arith.muli %parallel_loop3A_115, %parallel_loop3A_117 : vector<16xi32>
        %parallel_loop3A_119 = vector.broadcast %scan3A_108 : i32 to vector<16xi32>
        %parallel_loop3A_120 = arith.addi %parallel_loop3A_118, %parallel_loop3A_119 : vector<16xi32>
        %parallel_loop3A_121 = tpu.vector_load_idx %arg5[%parallel_loop3A_120] : memref<25600xi32, #tpu.memory_space<vmem>>[vector<16xi32>], vector<16xi32>,
        %parallel_loop3A_122 = arith.constant 16 : i32
        %parallel_loop3A_123 = arith.muli %parallel_loop3A_111, %parallel_loop3A_122 : i32
        %parallel_loop3A_124 = arith.index_cast %scan3A_108 : i32 to index
        %parallel_loop3A_125 = arith.index_cast %parallel_loop3A_123 : i32 to index
        %parallel_loop3A_126 = tpu.vector_load %arg6[%parallel_loop3A_124, %parallel_loop3A_125] {strides = array<i32>} : memref<50x512xi32, #tpu.memory_space<vmem>>, vector<16xi32>,
        tpu.vector_store %arg6[%parallel_loop3A_124, %parallel_loop3A_125], %parallel_loop3A_121 {strides = array<i32>} : memref<50x512xi32, #tpu.memory_space<vmem>>, vector<16xi32>,
      } {sc.loop_unroll_factor = 2 : i64, sc.parallel_access}
    }
    %scan3A_71 = arith.constant 50 : i32
    %dma_start3A = arith.constant 0 : i32
    %dma_start3A_72 = arith.constant 0 : i32
    %dma_start3A_73 = tpu.memref_slice %arg6[%dma_start3A, %dma_start3A_72] : memref<50x512xi32, #tpu.memory_space<vmem>> -> memref<1x512xi32, #tpu.memory_space<vmem>>
    %dma_start3A_74 = tpu.memref_squeeze %dma_start3A_73 : memref<1x512xi32, #tpu.memory_space<vmem>> -> memref<512xi32, #tpu.memory_space<vmem>>
    %dma_start3A_75 = arith.constant 0 : i32
    %dma_start3A_76 = arith.constant 0 : i32
    %dma_start3A_77 = tpu.memref_slice %arg3[%dma_start3A_75, %dma_start3A_76] : memref<1000000x32xf32, #tpu.memory_space<hbm>> -> memref<1000000x32xf32, #tpu.memory_space<hbm>>
    tpu.enqueue_indirect_dma source(%dma_start3A_77 : memref<1000000x32xf32, #tpu.memory_space<hbm>>) target(%arg7 : memref<512x32xf32, #tpu.memory_space<vmem>>) offsets(%dma_start3A_74 : memref<512xi32, #tpu.memory_space<vmem>>) semaphore(%arg11 : memref<!tpu.dma_semaphore, #tpu.memory_space<semaphore_mem>>)
    %scan3A_78 = arith.constant 0 : i32
    %scan3A_79 = arith.constant 25 : i32
    %scan3A_80 = arith.addi %scan3A_78, %scan3A_79 : i32
    %scan3A_81 = arith.constant 1 : i32
    scf.for %scan3A_108 = %scan3A_78 to %scan3A_80 step %scan3A_81  : i32 {
      %mul3A_109 = arith.constant 2 : i32
      %mul3A_110 = arith.muli %mul3A_109, %scan3A_108 : i32
      %add3A_111 = arith.constant 0 : i32
      %add3A_112 = arith.addi %mul3A_110, %add3A_111 : i32
      %dma_wait3A_113 = arith.constant 0 : i32
      %dma_wait3A_114 = tpu.memref_slice %arg6[%add3A_112, %dma_wait3A_113] : memref<50x512xi32, #tpu.memory_space<vmem>> -> memref<1x512xi32, #tpu.memory_space<vmem>>
      %dma_wait3A_115 = tpu.memref_squeeze %dma_wait3A_114 : memref<1x512xi32, #tpu.memory_space<vmem>> -> memref<512xi32, #tpu.memory_space<vmem>>
      %dma_wait3A_116 = arith.constant 0 : i32
      %dma_wait3A_117 = arith.constant 0 : i32
      %dma_wait3A_118 = tpu.memref_slice %arg3[%dma_wait3A_116, %dma_wait3A_117] : memref<1000000x32xf32, #tpu.memory_space<hbm>> -> memref<1000000x32xf32, #tpu.memory_space<hbm>>
      tpu.wait_indirect_dma semaphore(%arg11 : memref<!tpu.dma_semaphore, #tpu.memory_space<semaphore_mem>>) src(%dma_wait3A_118 : memref<1000000x32xf32, #tpu.memory_space<hbm>>) dst(%arg7 : memref<512x32xf32, #tpu.memory_space<vmem>>)
      %add3A_119 = arith.constant 1 : i32
      %add3A_120 = arith.addi %add3A_112, %add3A_119 : i32
      %lt3A = arith.constant 50 : i32
      %lt3A_121 = arith.cmpi slt, %add3A_120, %lt3A : i32
      %convert_element_type3A = arith.extui %lt3A_121 : i1 to i32
      %cond3A = arith.constant 0 : i32
      %cond3A_122 = arith.cmpi ne, %convert_element_type3A, %cond3A : i32
      scf.if %cond3A_122 {
        %add3A_178 = arith.constant 1 : i32
        %add3A_179 = arith.addi %add3A_112, %add3A_178 : i32
        %dma_start3A_180 = arith.constant 0 : i32
        %dma_start3A_181 = tpu.memref_slice %arg6[%add3A_179, %dma_start3A_180] : memref<50x512xi32, #tpu.memory_space<vmem>> -> memref<1x512xi32, #tpu.memory_space<vmem>>
        %dma_start3A_182 = tpu.memref_squeeze %dma_start3A_181 : memref<1x512xi32, #tpu.memory_space<vmem>> -> memref<512xi32, #tpu.memory_space<vmem>>
        %dma_start3A_183 = arith.constant 0 : i32
        %dma_start3A_184 = arith.constant 0 : i32
        %dma_start3A_185 = tpu.memref_slice %arg3[%dma_start3A_183, %dma_start3A_184] : memref<1000000x32xf32, #tpu.memory_space<hbm>> -> memref<1000000x32xf32, #tpu.memory_space<hbm>>
        tpu.enqueue_indirect_dma source(%dma_start3A_185 : memref<1000000x32xf32, #tpu.memory_space<hbm>>) target(%arg8 : memref<512x32xf32, #tpu.memory_space<vmem>>) offsets(%dma_start3A_182 : memref<512xi32, #tpu.memory_space<vmem>>) semaphore(%arg12 : memref<!tpu.dma_semaphore, #tpu.memory_space<semaphore_mem>>)
      } else {
      }
      %ge3A = arith.constant 2 : i32
      %ge3A_123 = arith.cmpi sge, %add3A_112, %ge3A : i32
      %convert_element_type3A_124 = arith.extui %ge3A_123 : i1 to i32
      %cond3A_125 = arith.constant 0 : i32
      %cond3A_126 = arith.cmpi ne, %convert_element_type3A_124, %cond3A_125 : i32
      scf.if %cond3A_126 {
        %sub3A = arith.constant 2 : i32
        %sub3A_178 = arith.subi %add3A_112, %sub3A : i32
        %dma_wait3A_179 = arith.constant 0 : i32
        %dma_wait3A_180 = arith.constant 0 : i32
        %dma_wait3A_181 = tpu.memref_slice %arg9[%dma_wait3A_179, %dma_wait3A_180] : memref<32x529xf32, #tpu.memory_space<vmem>> -> memref<32x512xf32, #tpu.memory_space<vmem>>
        %dma_wait3A_182 = arith.constant 0 : i32
        %dma_wait3A_183 = tpu.memref_slice %arg4[%sub3A_178, %dma_wait3A_182, %mul3A_2] : memref<50x32x16384xf32, #tpu.memory_space<hbm>> -> memref<1x32x512xf32, #tpu.memory_space<hbm>>
        %dma_wait3A_184 = tpu.memref_squeeze %dma_wait3A_183 : memref<1x32x512xf32, #tpu.memory_space<hbm>> -> memref<32x512xf32, #tpu.memory_space<hbm>>
        %dma_wait3A_185 = arith.constant 0 : i32
        %dma_wait3A_186 = tpu.memref_slice %arg4[%sub3A_178, %dma_wait3A_185, %mul3A_2] : memref<50x32x16384xf32, #tpu.memory_space<hbm>> -> memref<1x32x512xf32, #tpu.memory_space<hbm>>
        %dma_wait3A_187 = tpu.memref_squeeze %dma_wait3A_186 : memref<1x32x512xf32, #tpu.memory_space<hbm>> -> memref<32x512xf32, #tpu.memory_space<hbm>>
        %dma_wait3A_188 = arith.constant 0 : i32
        %dma_wait3A_189 = arith.constant 0 : i32
        %dma_wait3A_190 = tpu.memref_slice %arg9[%dma_wait3A_188, %dma_wait3A_189] : memref<32x529xf32, #tpu.memory_space<vmem>> -> memref<32x512xf32, #tpu.memory_space<vmem>>
        tpu.wait_dma2 semaphore(%arg13 : memref<!tpu.dma_semaphore, #tpu.memory_space<semaphore_mem>>) src(%dma_wait3A_190 : memref<32x512xf32, #tpu.memory_space<vmem>>) dst(%dma_wait3A_187 : memref<32x512xf32, #tpu.memory_space<hbm>>)
      } else {
      }
      %parallel_loop3A = arith.constant 0 : i32
      %parallel_loop3A_127 = arith.constant 512 : i32
      %parallel_loop3A_128 = arith.constant 1 : i32
      scf.for %parallel_loop3A_178 = %parallel_loop3A to %parallel_loop3A_127 step %parallel_loop3A_128  : i32 {
        %parallel_loop3A_179 = vector.broadcast %parallel_loop3A_178 : i32 to vector<16xi32>
        %parallel_loop3A_180 = arith.index_cast %parallel_loop3A_178 : i32 to index
        %parallel_loop3A_181 = arith.constant 0 : index
        %parallel_loop3A_182 = tpu.vector_load %arg7[%parallel_loop3A_180, %parallel_loop3A_181] {strides = array<i32>} : memref<512x32xf32, #tpu.memory_space<vmem>>, vector<16xf32>,
        %parallel_loop3A_183 = arith.constant 0 : i32
        %parallel_loop3A_184 = vector.broadcast %parallel_loop3A_183 : i32 to vector<16xi32>
        %parallel_loop3A_185 = arith.addi %iota3A, %parallel_loop3A_184 : vector<16xi32>
        tpu.vector_store_idx %arg9[%parallel_loop3A_185, %parallel_loop3A_179], %parallel_loop3A_182 : memref<32x529xf32, #tpu.memory_space<vmem>>[vector<16xi32>, vector<16xi32>], vector<16xf32>,
        %parallel_loop3A_186 = arith.index_cast %parallel_loop3A_178 : i32 to index
        %parallel_loop3A_187 = arith.constant 16 : index
        %parallel_loop3A_188 = tpu.vector_load %arg7[%parallel_loop3A_186, %parallel_loop3A_187] {strides = array<i32>} : memref<512x32xf32, #tpu.memory_space<vmem>>, vector<16xf32>,
        %parallel_loop3A_189 = arith.constant 16 : i32
        %parallel_loop3A_190 = vector.broadcast %parallel_loop3A_189 : i32 to vector<16xi32>
        %parallel_loop3A_191 = arith.addi %iota3A, %parallel_loop3A_190 : vector<16xi32>
        tpu.vector_store_idx %arg9[%parallel_loop3A_191, %parallel_loop3A_179], %parallel_loop3A_188 : memref<32x529xf32, #tpu.memory_space<vmem>>[vector<16xi32>, vector<16xi32>], vector<16xf32>,
      } {sc.loop_unroll_factor = 8 : i64, sc.parallel_access}
      %dma_start3A_129 = arith.constant 0 : i32
      %dma_start3A_130 = arith.constant 0 : i32
      %dma_start3A_131 = tpu.memref_slice %arg9[%dma_start3A_129, %dma_start3A_130] : memref<32x529xf32, #tpu.memory_space<vmem>> -> memref<32x512xf32, #tpu.memory_space<vmem>>
      %dma_start3A_132 = arith.constant 0 : i32
      %dma_start3A_133 = tpu.memref_slice %arg4[%add3A_112, %dma_start3A_132, %mul3A_2] : memref<50x32x16384xf32, #tpu.memory_space<hbm>> -> memref<1x32x512xf32, #tpu.memory_space<hbm>>
      %dma_start3A_134 = tpu.memref_squeeze %dma_start3A_133 : memref<1x32x512xf32, #tpu.memory_space<hbm>> -> memref<32x512xf32, #tpu.memory_space<hbm>>
      %dma_start3A_135 = arith.constant 0 : i32
      %dma_start3A_136 = tpu.memref_slice %arg4[%add3A_112, %dma_start3A_135, %mul3A_2] : memref<50x32x16384xf32, #tpu.memory_space<hbm>> -> memref<1x32x512xf32, #tpu.memory_space<hbm>>
      %dma_start3A_137 = tpu.memref_squeeze %dma_start3A_136 : memref<1x32x512xf32, #tpu.memory_space<hbm>> -> memref<32x512xf32, #tpu.memory_space<hbm>>
      %dma_start3A_138 = arith.constant 0 : i32
      %dma_start3A_139 = arith.constant 0 : i32
      %dma_start3A_140 = tpu.memref_slice %arg9[%dma_start3A_138, %dma_start3A_139] : memref<32x529xf32, #tpu.memory_space<vmem>> -> memref<32x512xf32, #tpu.memory_space<vmem>>
      tpu.enqueue_dma source(%dma_start3A_140 : memref<32x512xf32, #tpu.memory_space<vmem>>) target(%dma_start3A_137 : memref<32x512xf32, #tpu.memory_space<hbm>>) target_semaphore(%arg13 : memref<!tpu.dma_semaphore, #tpu.memory_space<semaphore_mem>>)
      %mul3A_141 = arith.constant 2 : i32
      %mul3A_142 = arith.muli %mul3A_141, %scan3A_108 : i32
      %add3A_143 = arith.constant 1 : i32
      %add3A_144 = arith.addi %mul3A_142, %add3A_143 : i32
      %dma_wait3A_145 = arith.constant 0 : i32
      %dma_wait3A_146 = tpu.memref_slice %arg6[%add3A_144, %dma_wait3A_145] : memref<50x512xi32, #tpu.memory_space<vmem>> -> memref<1x512xi32, #tpu.memory_space<vmem>>
      %dma_wait3A_147 = tpu.memref_squeeze %dma_wait3A_146 : memref<1x512xi32, #tpu.memory_space<vmem>> -> memref<512xi32, #tpu.memory_space<vmem>>
      %dma_wait3A_148 = arith.constant 0 : i32
      %dma_wait3A_149 = arith.constant 0 : i32
      %dma_wait3A_150 = tpu.memref_slice %arg3[%dma_wait3A_148, %dma_wait3A_149] : memref<1000000x32xf32, #tpu.memory_space<hbm>> -> memref<1000000x32xf32, #tpu.memory_space<hbm>>
      tpu.wait_indirect_dma semaphore(%arg12 : memref<!tpu.dma_semaphore, #tpu.memory_space<semaphore_mem>>) src(%dma_wait3A_150 : memref<1000000x32xf32, #tpu.memory_space<hbm>>) dst(%arg8 : memref<512x32xf32, #tpu.memory_space<vmem>>)
      %add3A_151 = arith.constant 1 : i32
      %add3A_152 = arith.addi %add3A_144, %add3A_151 : i32
      %lt3A_153 = arith.constant 50 : i32
      %lt3A_154 = arith.cmpi slt, %add3A_152, %lt3A_153 : i32
      %convert_element_type3A_155 = arith.extui %lt3A_154 : i1 to i32
      %cond3A_156 = arith.constant 0 : i32
      %cond3A_157 = arith.cmpi ne, %convert_element_type3A_155, %cond3A_156 : i32
      scf.if %cond3A_157 {
        %add3A_178 = arith.constant 1 : i32
        %add3A_179 = arith.addi %add3A_144, %add3A_178 : i32
        %dma_start3A_180 = arith.constant 0 : i32
        %dma_start3A_181 = tpu.memref_slice %arg6[%add3A_179, %dma_start3A_180] : memref<50x512xi32, #tpu.memory_space<vmem>> -> memref<1x512xi32, #tpu.memory_space<vmem>>
        %dma_start3A_182 = tpu.memref_squeeze %dma_start3A_181 : memref<1x512xi32, #tpu.memory_space<vmem>> -> memref<512xi32, #tpu.memory_space<vmem>>
        %dma_start3A_183 = arith.constant 0 : i32
        %dma_start3A_184 = arith.constant 0 : i32
        %dma_start3A_185 = tpu.memref_slice %arg3[%dma_start3A_183, %dma_start3A_184] : memref<1000000x32xf32, #tpu.memory_space<hbm>> -> memref<1000000x32xf32, #tpu.memory_space<hbm>>
        tpu.enqueue_indirect_dma source(%dma_start3A_185 : memref<1000000x32xf32, #tpu.memory_space<hbm>>) target(%arg7 : memref<512x32xf32, #tpu.memory_space<vmem>>) offsets(%dma_start3A_182 : memref<512xi32, #tpu.memory_space<vmem>>) semaphore(%arg11 : memref<!tpu.dma_semaphore, #tpu.memory_space<semaphore_mem>>)
      } else {
      }
      %ge3A_158 = arith.constant 2 : i32
      %ge3A_159 = arith.cmpi sge, %add3A_144, %ge3A_158 : i32
      %convert_element_type3A_160 = arith.extui %ge3A_159 : i1 to i32
      %cond3A_161 = arith.constant 0 : i32
      %cond3A_162 = arith.cmpi ne, %convert_element_type3A_160, %cond3A_161 : i32
      scf.if %cond3A_162 {
        %sub3A = arith.constant 2 : i32
        %sub3A_178 = arith.subi %add3A_144, %sub3A : i32
        %dma_wait3A_179 = arith.constant 0 : i32
        %dma_wait3A_180 = arith.constant 0 : i32
        %dma_wait3A_181 = tpu.memref_slice %arg10[%dma_wait3A_179, %dma_wait3A_180] : memref<32x529xf32, #tpu.memory_space<vmem>> -> memref<32x512xf32, #tpu.memory_space<vmem>>
        %dma_wait3A_182 = arith.constant 0 : i32
        %dma_wait3A_183 = tpu.memref_slice %arg4[%sub3A_178, %dma_wait3A_182, %mul3A_2] : memref<50x32x16384xf32, #tpu.memory_space<hbm>> -> memref<1x32x512xf32, #tpu.memory_space<hbm>>
        %dma_wait3A_184 = tpu.memref_squeeze %dma_wait3A_183 : memref<1x32x512xf32, #tpu.memory_space<hbm>> -> memref<32x512xf32, #tpu.memory_space<hbm>>
        %dma_wait3A_185 = arith.constant 0 : i32
        %dma_wait3A_186 = tpu.memref_slice %arg4[%sub3A_178, %dma_wait3A_185, %mul3A_2] : memref<50x32x16384xf32, #tpu.memory_space<hbm>> -> memref<1x32x512xf32, #tpu.memory_space<hbm>>
        %dma_wait3A_187 = tpu.memref_squeeze %dma_wait3A_186 : memref<1x32x512xf32, #tpu.memory_space<hbm>> -> memref<32x512xf32, #tpu.memory_space<hbm>>
        %dma_wait3A_188 = arith.constant 0 : i32
        %dma_wait3A_189 = arith.constant 0 : i32
        %dma_wait3A_190 = tpu.memref_slice %arg10[%dma_wait3A_188, %dma_wait3A_189] : memref<32x529xf32, #tpu.memory_space<vmem>> -> memref<32x512xf32, #tpu.memory_space<vmem>>
        tpu.wait_dma2 semaphore(%arg14 : memref<!tpu.dma_semaphore, #tpu.memory_space<semaphore_mem>>) src(%dma_wait3A_190 : memref<32x512xf32, #tpu.memory_space<vmem>>) dst(%dma_wait3A_187 : memref<32x512xf32, #tpu.memory_space<hbm>>)
      } else {
      }
      %parallel_loop3A_163 = arith.constant 0 : i32
      %parallel_loop3A_164 = arith.constant 512 : i32
      %parallel_loop3A_165 = arith.constant 1 : i32
      scf.for %parallel_loop3A_178 = %parallel_loop3A_163 to %parallel_loop3A_164 step %parallel_loop3A_165  : i32 {
        %parallel_loop3A_179 = vector.broadcast %parallel_loop3A_178 : i32 to vector<16xi32>
        %parallel_loop3A_180 = arith.index_cast %parallel_loop3A_178 : i32 to index
        %parallel_loop3A_181 = arith.constant 0 : index
        %parallel_loop3A_182 = tpu.vector_load %arg8[%parallel_loop3A_180, %parallel_loop3A_181] {strides = array<i32>} : memref<512x32xf32, #tpu.memory_space<vmem>>, vector<16xf32>,
        %parallel_loop3A_183 = arith.constant 0 : i32
        %parallel_loop3A_184 = vector.broadcast %parallel_loop3A_183 : i32 to vector<16xi32>
        %parallel_loop3A_185 = arith.addi %iota3A, %parallel_loop3A_184 : vector<16xi32>
        tpu.vector_store_idx %arg10[%parallel_loop3A_185, %parallel_loop3A_179], %parallel_loop3A_182 : memref<32x529xf32, #tpu.memory_space<vmem>>[vector<16xi32>, vector<16xi32>], vector<16xf32>,
        %parallel_loop3A_186 = arith.index_cast %parallel_loop3A_178 : i32 to index
        %parallel_loop3A_187 = arith.constant 16 : index
        %parallel_loop3A_188 = tpu.vector_load %arg8[%parallel_loop3A_186, %parallel_loop3A_187] {strides = array<i32>} : memref<512x32xf32, #tpu.memory_space<vmem>>, vector<16xf32>,
        %parallel_loop3A_189 = arith.constant 16 : i32
        %parallel_loop3A_190 = vector.broadcast %parallel_loop3A_189 : i32 to vector<16xi32>
        %parallel_loop3A_191 = arith.addi %iota3A, %parallel_loop3A_190 : vector<16xi32>
        tpu.vector_store_idx %arg10[%parallel_loop3A_191, %parallel_loop3A_179], %parallel_loop3A_188 : memref<32x529xf32, #tpu.memory_space<vmem>>[vector<16xi32>, vector<16xi32>], vector<16xf32>,
      } {sc.loop_unroll_factor = 8 : i64, sc.parallel_access}
      %dma_start3A_166 = arith.constant 0 : i32
      %dma_start3A_167 = arith.constant 0 : i32
      %dma_start3A_168 = tpu.memref_slice %arg10[%dma_start3A_166, %dma_start3A_167] : memref<32x529xf32, #tpu.memory_space<vmem>> -> memref<32x512xf32, #tpu.memory_space<vmem>>
      %dma_start3A_169 = arith.constant 0 : i32
      %dma_start3A_170 = tpu.memref_slice %arg4[%add3A_144, %dma_start3A_169, %mul3A_2] : memref<50x32x16384xf32, #tpu.memory_space<hbm>> -> memref<1x32x512xf32, #tpu.memory_space<hbm>>
      %dma_start3A_171 = tpu.memref_squeeze %dma_start3A_170 : memref<1x32x512xf32, #tpu.memory_space<hbm>> -> memref<32x512xf32, #tpu.memory_space<hbm>>
      %dma_start3A_172 = arith.constant 0 : i32
      %dma_start3A_173 = tpu.memref_slice %arg4[%add3A_144, %dma_start3A_172, %mul3A_2] : memref<50x32x16384xf32, #tpu.memory_space<hbm>> -> memref<1x32x512xf32, #tpu.memory_space<hbm>>
      %dma_start3A_174 = tpu.memref_squeeze %dma_start3A_173 : memref<1x32x512xf32, #tpu.memory_space<hbm>> -> memref<32x512xf32, #tpu.memory_space<hbm>>
      %dma_start3A_175 = arith.constant 0 : i32
      %dma_start3A_176 = arith.constant 0 : i32
      %dma_start3A_177 = tpu.memref_slice %arg10[%dma_start3A_175, %dma_start3A_176] : memref<32x529xf32, #tpu.memory_space<vmem>> -> memref<32x512xf32, #tpu.memory_space<vmem>>
      tpu.enqueue_dma source(%dma_start3A_177 : memref<32x512xf32, #tpu.memory_space<vmem>>) target(%dma_start3A_174 : memref<32x512xf32, #tpu.memory_space<hbm>>) target_semaphore(%arg14 : memref<!tpu.dma_semaphore, #tpu.memory_space<semaphore_mem>>)
    }
    %scan3A_82 = arith.constant 25 : i32
    %dma_wait3A = arith.constant 48 : i32
    %dma_wait3A_83 = arith.constant 0 : i32
    %dma_wait3A_84 = arith.constant 0 : i32
    %dma_wait3A_85 = tpu.memref_slice %arg9[%dma_wait3A_83, %dma_wait3A_84] : memref<32x529xf32, #tpu.memory_space<vmem>> -> memref<32x512xf32, #tpu.memory_space<vmem>>
    %dma_wait3A_86 = arith.constant 0 : i32
    %dma_wait3A_87 = tpu.memref_slice %arg4[%dma_wait3A, %dma_wait3A_86, %mul3A_2] : memref<50x32x16384xf32, #tpu.memory_space<hbm>> -> memref<1x32x512xf32, #tpu.memory_space<hbm>>
    %dma_wait3A_88 = tpu.memref_squeeze %dma_wait3A_87 : memref<1x32x512xf32, #tpu.memory_space<hbm>> -> memref<32x512xf32, #tpu.memory_space<hbm>>
    %dma_wait3A_89 = arith.constant 0 : i32
    %dma_wait3A_90 = tpu.memref_slice %arg4[%dma_wait3A, %dma_wait3A_89, %mul3A_2] : memref<50x32x16384xf32, #tpu.memory_space<hbm>> -> memref<1x32x512xf32, #tpu.memory_space<hbm>>
    %dma_wait3A_91 = tpu.memref_squeeze %dma_wait3A_90 : memref<1x32x512xf32, #tpu.memory_space<hbm>> -> memref<32x512xf32, #tpu.memory_space<hbm>>
    %dma_wait3A_92 = arith.constant 0 : i32
    %dma_wait3A_93 = arith.constant 0 : i32
    %dma_wait3A_94 = tpu.memref_slice %arg9[%dma_wait3A_92, %dma_wait3A_93] : memref<32x529xf32, #tpu.memory_space<vmem>> -> memref<32x512xf32, #tpu.memory_space<vmem>>
    tpu.wait_dma2 semaphore(%arg13 : memref<!tpu.dma_semaphore, #tpu.memory_space<semaphore_mem>>) src(%dma_wait3A_94 : memref<32x512xf32, #tpu.memory_space<vmem>>) dst(%dma_wait3A_91 : memref<32x512xf32, #tpu.memory_space<hbm>>)
    %dma_wait3A_95 = arith.constant 49 : i32
    %dma_wait3A_96 = arith.constant 0 : i32
    %dma_wait3A_97 = arith.constant 0 : i32
    %dma_wait3A_98 = tpu.memref_slice %arg10[%dma_wait3A_96, %dma_wait3A_97] : memref<32x529xf32, #tpu.memory_space<vmem>> -> memref<32x512xf32, #tpu.memory_space<vmem>>
    %dma_wait3A_99 = arith.constant 0 : i32
    %dma_wait3A_100 = tpu.memref_slice %arg4[%dma_wait3A_95, %dma_wait3A_99, %mul3A_2] : memref<50x32x16384xf32, #tpu.memory_space<hbm>> -> memref<1x32x512xf32, #tpu.memory_space<hbm>>
    %dma_wait3A_101 = tpu.memref_squeeze %dma_wait3A_100 : memref<1x32x512xf32, #tpu.memory_space<hbm>> -> memref<32x512xf32, #tpu.memory_space<hbm>>
    %dma_wait3A_102 = arith.constant 0 : i32
    %dma_wait3A_103 = tpu.memref_slice %arg4[%dma_wait3A_95, %dma_wait3A_102, %mul3A_2] : memref<50x32x16384xf32, #tpu.memory_space<hbm>> -> memref<1x32x512xf32, #tpu.memory_space<hbm>>
    %dma_wait3A_104 = tpu.memref_squeeze %dma_wait3A_103 : memref<1x32x512xf32, #tpu.memory_space<hbm>> -> memref<32x512xf32, #tpu.memory_space<hbm>>
    %dma_wait3A_105 = arith.constant 0 : i32
    %dma_wait3A_106 = arith.constant 0 : i32
    %dma_wait3A_107 = tpu.memref_slice %arg10[%dma_wait3A_105, %dma_wait3A_106] : memref<32x529xf32, #tpu.memory_space<vmem>> -> memref<32x512xf32, #tpu.memory_space<vmem>>
    tpu.wait_dma2 semaphore(%arg14 : memref<!tpu.dma_semaphore, #tpu.memory_space<semaphore_mem>>) src(%dma_wait3A_107 : memref<32x512xf32, #tpu.memory_space<vmem>>) dst(%dma_wait3A_104 : memref<32x512xf32, #tpu.memory_space<hbm>>)
    return
  }
}

</mosaic_0001>

<sc_bundles>
// kernel: kernel.3.cloned.1.call-start
scs
__scs_entry_jumppad:
0x0: {  	(pc) =	sbr.rel $0x88, $3  }
0x1: {  	(tag) =	ssettag $0x0;
	lr =	simm.s32 $0x1  }
0x2: {  	[smem:$0x3F9F] =	sst lr;
	_ =	strace $0xD0000000  }
0x3: {  	_ = 	snop  }
0x4: {  	_ = 	snop  }
0x5: {  	_ = 	snop  }
0x6: {  	_ = 	snop  }
0x7: {  	_ = 	snop  }
__scs_overlays_trampoline_lowered:
0x8: {  	[smem:$0x3FAE] =	sst s0  }
0x9: {  	[smem:$0x3FAF] =	sst s1  }
0xa: {  	[smem:$0x3FB0] =	sst s2  }
0xb: {  	[smem:$0x3FB1] =	sst s3  }
0xc: {  	[smem:$0x3FB2] =	sst s4  }
0xd: {  	[smem:$0x3FB3] =	sst s5  }
0xe: {  	[smem:$0x3FB4] =	sst s6  }
0xf: {  	[smem:$0x3FB5] =	sst s7  }
0x10: {  	[smem:$0x3FB6] =	sst s8  }
0x11: {  	[smem:$0x3FB7] =	sst s9;
	s0 =	simm.s32 @!p0 $0x0  }
0x12: {  	s1 =	sld [smem:$0x3F9D];
	s0 =	simm.s32 @p0 $0x1  }
0x13: {  	[smem:$0x3FB8] =	sst s0;
	s0 =	simm.s32 @!p1 $0x0  }
0x14: {  	s2 =	sld [smem:$0x3F9C];
	s0 =	simm.s32 @p1 $0x1  }
0x15: {  	[smem:$0x3FB9] =	sst s0;
	s0 =	simm.s32 @!p2 $0x0  }
0x16: {  	s3 =	sld [smem:$0x3FDB];
	s0 =	simm.s32 @p2 $0x1  }
0x17: {  	s4 =	simm.s32 $0x1BF5;
	[smem:$0x3FBB] =	sst s0  }
0x18: {  	s0 =	sld [smem:$0x3F9E];
	_ =	swait.ge [sflag:s4], $0x0  }
0x19: {  	s7 =	sld [smem:$0x3F9F]  }
0x1a: {  	s8 =	sadd.s32 $0xFFFFE003, lr  }
0x1b: {  	s9 =	sadd.s32 $0xFFFFFEF7, lr;
	s5 =	simm.s32 $0xFFFFFFFF;
	p2 =	slt.u32 s8, $0xFFFFF086  }
0x1c: {  	p1 =	slt.u32 s9, $0xF7A;
	s5 =	simm.s32 @!p2 $0x0  }
0x1d: {  	s5 =	simm.s32 @p1 $0x1;
	p0 =	seq.s32 s7, s2  }
0x1e: {  	s7 =	smul.u32 @!p0 $0xF7A, s2;
	p2 =	seq.s32 @!p0 s5, $0x0  }
0x1f: {  	s9 =	smul.u32 $0xF7A, s1;
	s8 =	simm.s32 @!p0 $0x1BF5;
	p2 =	por !p2, p0  }
0x20: {  	[sflag:s8] =	ssyncset.s32 @!p0 $0xFFFFF086;
	s6 =	sadd.s32 @!p0 s3, s7;
	s7 =	simm.s32 @!p0 $0x108  }
0x21: {  	s3 =	sadd.s32 s3, s9;
	s6 =	sadd.s32 @!p0 $0x88, s6;
	s7 =	simm.s32 @p2 $0x1082  }
0x22: {  	[simem:s7], [sflag:s8] =	dma.local @!p0 [hbm:s6], $0xF7A  }
0x23: {  	s9 =	sor.u32 $0xD0000000, s2;
	s6 =	simm.s32 $0x108;
	_ =	swait.ge @!p0 [sflag:s8], $0x0  }
0x24: {  	s3 =	sadd.s32 $0x88, s3;
	s6 =	simm.s32 @!p1 $0x1082;
	[sflag:s4] =	ssyncset.s32 $0xFFFFF086  }
0x25: {  	[simem:s6], [sflag:s4] =	dma.local [hbm:s3], $0xF7A  }
0x26: {  	[smem:$0x3F9F] =	sst s1;
	(tag) =	ssettag s2;
	_ =	strace s9  }
0x27: {  	s1 =	sld [smem:$0x3FAF]  }
0x28: {  	s2 =	sld [smem:$0x3FB0]  }
0x29: {  	s4 =	sld [smem:$0x3FB2]  }
0x2a: {  	p0 =	seq.s32 s5, $0x0;
	s5 =	sld [smem:$0x3FB3]  }
0x2b: {  	s6 =	sld [smem:$0x3FB4]  }
0x2c: {  	s7 =	sld [smem:$0x3FB5]  }
0x2d: {  	s3 =	simm.s32 $0x108;
	s8 =	sld [smem:$0x3FB6]  }
0x2e: {  	s3 =	simm.s32 @!p0 $0x1082;
	s9 =	sld [smem:$0x3FB7]  }
0x2f: {  	lr =	sadd.s32 s0, s3;
	s0 =	sld [smem:$0x3FAE]  }
0x30: {  	s3 =	sld [smem:$0x3FB1]  }
0x31: {  	[smem:$0x3FBA] =	sst s10  }
0x32: {  	s10 =	sld [smem:$0x3FB8];
	_ =	sdelay $0x3  }
0x33: {  	p0 =	seq.s32 s10, $0x1;
	s10 =	sld [smem:$0x3FBA];
	_ =	sdelay $0x3  }
0x34: {  	[smem:$0x3FBA] =	sst s10  }
0x35: {  	s10 =	sld [smem:$0x3FB9];
	_ =	sdelay $0x3  }
0x36: {  	p1 =	seq.s32 s10, $0x1;
	s10 =	sld [smem:$0x3FBA];
	_ =	sdelay $0x3  }
0x37: {  	[smem:$0x3FBA] =	sst s10  }
0x38: {  	s10 =	sld [smem:$0x3FBB]  }
0x39: {  	_ = 	snop;
	(pc) =	sbr.ind lr, $3  }
0x3a: {  	_ = 	snop  }
0x3b: {  	_ = 	snop  }
0x3c: {  	p2 =	seq.s32 s10, $0x1;
	s10 =	sld [smem:$0x3FBA]  }
0x3d: {  	_ =	shalt  }
0x3e: {  	_ =	shalt  }
0x3f: {  	_ =	shalt  }
0x40: {  	_ =	shalt  }
0x41: {  	_ =	shalt  }
0x42: {  	_ =	shalt  }
0x43: {  	_ =	shalt  }
0x44: {  	_ =	shalt  }
0x45: {  	_ =	shalt  }
0x46: {  	_ =	shalt  }
0x47: {  	_ =	shalt  }
0x48: {  	_ =	shalt  }
0x49: {  	_ =	shalt  }
0x4a: {  	_ =	shalt  }
0x4b: {  	_ =	shalt  }
0x4c: {  	_ =	shalt  }
0x4d: {  	_ =	shalt  }
0x4e: {  	_ =	shalt  }
0x4f: {  	_ =	shalt  }
0x50: {  	_ =	shalt  }
0x51: {  	_ =	shalt  }
0x52: {  	_ =	shalt  }
0x53: {  	_ =	shalt  }
0x54: {  	_ =	shalt  }
0x55: {  	_ =	shalt  }
0x56: {  	_ =	shalt  }
0x57: {  	_ =	shalt  }
0x58: {  	_ =	shalt  }
0x59: {  	_ =	shalt  }
0x5a: {  	_ =	shalt  }
0x5b: {  	_ =	shalt  }
0x5c: {  	_ =	shalt  }
0x5d: {  	_ =	shalt  }
0x5e: {  	_ =	shalt  }
0x5f: {  	_ =	shalt  }
0x60: {  	_ =	shalt  }
0x61: {  	_ =	shalt  }
0x62: {  	_ =	shalt  }
0x63: {  	_ =	shalt  }
0x64: {  	_ =	shalt  }
0x65: {  	_ =	shalt  }
0x66: {  	_ =	shalt  }
0x67: {  	_ =	shalt  }
0x68: {  	_ =	shalt  }
0x69: {  	_ =	shalt  }
0x6a: {  	_ =	shalt  }
0x6b: {  	_ =	shalt  }
0x6c: {  	_ =	shalt  }
0x6d: {  	_ =	shalt  }
0x6e: {  	_ =	shalt  }
0x6f: {  	_ =	shalt  }
0x70: {  	_ =	shalt  }
0x71: {  	_ =	shalt  }
0x72: {  	_ =	shalt  }
0x73: {  	_ =	shalt  }
0x74: {  	_ =	shalt  }
0x75: {  	_ =	shalt  }
0x76: {  	_ =	shalt  }
0x77: {  	_ =	shalt  }
0x78: {  	_ =	shalt  }
0x79: {  	_ =	shalt  }
0x7a: {  	_ =	shalt  }
0x7b: {  	_ =	shalt  }
0x7c: {  	_ =	shalt  }
0x7d: {  	_ =	shalt  }
0x7e: {  	_ =	shalt  }
0x7f: {  	_ =	shalt  }
0x80: {  	_ =	shalt  }
0x81: {  	_ =	shalt  }
0x82: {  	_ =	shalt  }
0x83: {  	_ =	shalt  }
0x84: {  	_ =	shalt  }
0x85: {  	_ =	shalt  }
0x86: {  	_ =	shalt  }
0x87: {  	_ =	shalt  }
.Lfunc_end0:
.L_simem_size_0:
called_computation_lowered:
.L_overlay_start_0:
0x88: {  	s2 =	sld [smem:$0x3FD9]  }
0x89: {  	s3 =	sld [smem:$0x3FFE];
	_ =	sdelay $0x1  }
0x8a: {  	s1 =	srdreg.scid  }
0x8b: {  	s0 =	sand.u32 $0x1, s1  }
0x8c: {  	s17 =	sshll.u32 s0, $0xA;
	s2 =	sadd.s32 s3, s2  }
0x8d: {  	s2 =	sadd.s32 s2, s17  }
0x8e: {  	[smem:$0x3FC6] =	sst s2  }
0x8f: {  	_ = 	snop  }
0x90: {  	s2 =	sld [smem:$0x3FD0];
	(tm) =	ssettm $0x1  }
0x91: {  	s18 =	sld [smem:$0x3FFB];
	_ =	sdelay $0x3  }
0x92: {  	_ =	strace s18  }
0x93: {  	s3 =	sld [smem:$0x3FFC];
	_ =	sdelay $0x3  }
0x94: {  	_ =	strace s3  }
0x95: {  	s3 =	sld [smem:$0x3FFD];
	_ =	sdelay $0x3  }
0x96: {  	_ =	strace s3  }
0x97: {  	_ =	strace $0x8FFFFFFF  }
0x98: {  	s19 =	sld [smem:$0x3FDB];
	_ =	sdelay $0x1  }
0x99: {  	s4 =	simm.s32 $_scs_section_size  }
0x9a: {  	s5 =	simm.s32 $_size__tile_overlayer_lowered;
	s6 =	simm.s32 $_tile_overlayer_lowered  }
0x9b: {  	s22 =	simm.s32 $0x1BFF;
	s21 =	sshll.u32 s6, $0x1;
	s3 =	sadd.s32 s4, s19  }
0x9c: {  	s7 =	simm.s32 $0x0;
	s20 =	sshll.u32 s5, $0x1;
	s5 =	sadd.s32 s21, s3  }
0x9d: {  	[timem:s7], [sflag:s22] =	dma.local [hbm:s5], s20  }
0x9e: {  	_ =	swait.ge [sflag:s22], s20  }
0x9f: {  	s4 =	ssub.s32 $0x0, s20;
	[sflag:s22] =	ssyncset.done $0x0  }
0xa0: {  	[sflag:s22] =	ssyncadd.s32 s4;
	_ =	sdelay $0x1  }
0xa1: {  	s23 =	simm.s32 $0x1B8B  }
0xa2: {  	_ =	swait.ge [sflag:s23], $0x1  }
0xa3: {  	[sflag:s23] =	ssyncset.done $0x0  }
0xa4: {  	s25 =	simm.s32 $0x1B8E;
	s24 =	sld [smem:$0x3FFE];
	[sflag:s23] =	ssyncadd.s32 $0xFFFFFFFF  }
0xa5: {  	s26 =	simm.s32 $execute0_lowered;
	[smem:$0x3FD2] =	sst s25  }
0xa6: {  	s5 =	sshll.u32 s26, $0x1;
	_ =	strace $0x80000046;
	[dreg:$0x1] =	wrdreg $0xFFFFFFFF  }
0xa7: {  	s28 =	simm.s32 $_size_execute0_lowered;
	s3 =	sadd.s32 s3, s5;
	[dreg:$0x0] =	wrdreg $0x0  }
0xa8: {  	s5 =	sshll.u32 s28, $0x1;
	[dreg:$0x2] =	wrdreg s3  }
0xa9: {  	[dreg:$0x3] =	wrdreg s5  }
0xaa: {  	[dreg:$0x4] =	wrdreg $0xC0  }
0xab: {  	_ =	task [dreg:s7], $0x5FFFF  }
0xac: {  	[dreg:$0x1] =	wrdreg $0xFFFFFFFF  }
0xad: {  	[dreg:$0x0] =	wrdreg $0x60  }
0xae: {  	[dreg:$0x2] =	wrdreg s2  }
0xaf: {  	[dreg:$0x3] =	wrdreg s24  }
0xb0: {  	[dreg:$0x4] =	wrdreg $0x9  }
0xb1: {  	_ =	task.clear_ibuf [dreg:s7], $0x5FFFF;
	_ =	strace $0x90000046  }
0xb2: {  	s29 =	simm.s32 $0x9;
	_ =	strace $0x80000048  }
0xb3: {  	_ =	swait.ge [sflag:s29], $0x1  }
0xb4: {  	[sflag:s29] =	ssyncadd.s32 $0xFFFFFFFF  }
0xb5: {  	_ =	strace $0x90000048  }
0xb6: {  	_ =	sfence  }
0xb7: {  	s30 =	sld [smem:$0x0];
	_ =	sdelay $0x2  }
0xb8: {  	s31 =	sshll.u32 s1, $0xD;
	s1 =	sshrl.u32 s1, $0x2  }
0xb9: {  	s3 =	sand.u32 $0x4000, s31;
	s1 =	sadd.s32 s1, s30  }
0xba: {  	s0 =	sor.u32 s3, s0;
	s1 =	sshll.u32 s1, $0x11  }
0xbb: {  	s0 =	sor.u32 s1, s0  }
0xbc: {  	s0 =	sadd.s32 $0x8F2B, s0  }
0xbd: {  	[sflag:s0] =	ssyncadd.remote.s32 $0x1  }
0xbe: {  	_ =	sfence.sel $0xFFFF  }
0xbf: {  	[dreg:$0x0] =	wrdreg $0xFFFFFFFF;
	(pc) =	sbr.abs _section_cstart, $3  }
0xc0: {  	[dreg:$0x1] =	wrdreg $0xFFFFFFFF  }
0xc1: {  	_ =	task.clear_ibuf [dreg:s7], $0x2FFFF;
	_ =	strace $0x9FFFFFFF  }
0xc2: {  	(tm) =	ssettm $0x7FFFFFFF  }
0xc3: {  	_ =	shalt  }
tec
execute0_lowered:
.L_overlay_start_1:
0x0: {  	(tag) =	ssettag $0x1  }
0x1: {  	s5 =	rddreg [dreg:$0x0]  }
0x2: {  	s4 =	rddreg [dreg:$0x1]  }
0x3: {  	s0 =	rddreg [dreg:$0x2]  }
0x4: {  	s3 =	srdreg.scid;
	s1 =	stileid.u32  }
0x5: {  	s2 =	simm.s32 $0x0;
	s10 =	simm.s32 $0x6400;
	s11 =	simm.s32 $0xC800  }
0x6: {  	v1 =	vlaneseq.u32;
	s12 =	simm.s32 $0x1;
	s13 =	simm.s32 $0x10800;
	s14 =	simm.s32 $0x14800  }
0x7: {  	v2 =	vimm.s32 $0x0;
	vm0 =	vcmask $0x300;
	s15 =	simm.s32 $0x2;
	s16 =	simm.s32 $0x18B00;
	s17 =	simm.s32 $0x3;
	v0 =	vmul.u32 $0x218, v1  }
0x8: {  	s18 =	simm.s32 $0x4;
	s19 =	simm.s32 $0x0;
	s3 =	sand.u32 $0x1, s3;
	v1 =	vmul.u32 $0x32, v1;
	v2 =	vsel vm0, $0x3, v2  }
0x9: {  	s6 =	sshll.u32 s1, $0x1;
	[smem:$0x7FF] =	sst s2;
	s7 =	ssub.s32 $0x2, s3;
	v3 =	vadd.s32 $0x2180, v0;
	v4 =	vor.u32 $0x1, v0;
	v5 =	vadd.s32 $0x2181, v0  }
0xa: {  	s6 =	sor.u32 s3, s6;
	_ =	strace $0x80000047;
	s3 =	sadd.s32 $0xF42A00, s4;
	v6 =	vor.u32 $0x2, v0;
	v7 =	vadd.s32 $0x2182, v0;
	v8 =	vor.u32 $0x3, v0  }
0xb: {  	s4 =	sadd.s32 $0x600, s4;
	s8 =	sshrl.u32 s7, $0x1;
	s9 =	smul.u32 $0xC80, s6;
	v9 =	vadd.s32 $0x2183, v0;
	v10 =	vor.u32 $0x4, v0;
	v11 =	vadd.s32 $0x2184, v0  }
0xc: {  	s6 =	sshll.u32 s6, $0x9;
	v12 =	vor.u32 $0x5, v0;
	v13 =	vadd.s32 $0x2185, v0;
	v14 =	vor.u32 $0x6, v0;
	s7 =	ssub.s32 s7, s8;
	s8 =	simm.s32 $0x5  }
0xd: {  	v15 =	vadd.s32 $0x2186, v0;
	v16 =	vor.u32 $0x7, v0;
	v17 =	vadd.s32 $0x2187, v0;
	s5 =	sadd.s32 s5, s9;
	s7 =	smax.u32 s7, $0x1;
	s9 =	simm.s32 $0x200  }
.LBB2_1:
0xe: {  	[tilespmem:s2], [sflag:$0x5] =	stream.linear.gather [hbm4b:s5+s2], $0x6400, $0x38;
	[tilespmem:$0x1CE00] =	vst v63  }
0xf: {  	_ =	swait.ge [sflag:s8], $0x6400  }
0x10: {  	[sflag:s8] =	ssyncset.done $0x0  }
0x11: {  	s20 =	simm.s32 $0x6410;
	s21 =	simm.s32 $0x0;
	[sflag:s8] =	ssyncadd.s32 $0xFFFF9C00  }
.LBB2_2:
0x12: {  	s22 =	simm.s32 $0x0  }
0x13: {  	s23 =	simm.s32 $0x10;
	v18 =	vmov s22  }
0x14: {  	v19 =	vmov s23;
	v20 =	vmul.u32 $0x32, v18  }
0x15: {  	v18 =	vmov s21;
	v19 =	vmul.u32 $0x32, v19  }
0x16: {  	v20 =	vadd.s32 v18, v20  }
0x17: {  	s28 =	simm.s32 $0x20;
	v19 =	vadd.s32 v18, v19;
	v20 =	vbroadcast v20, $0x0  }
0x18: {  	s29 =	simm.s32 $0x30;
	v21 =	vmov s28;
	v19 =	vbroadcast v19, $0x0  }
0x19: {  	v22 =	vmov s29;
	v21 =	vmul.u32 $0x32, v21;
	v20 =	vadd.s32 v1, v20  }
0x1a: {  	v22 =	vmul.u32 $0x32, v22;
	v23 =	vadd.s32 v1, v19  }
0x1b: {  	s31 =	simm.s32 $0x40;
	v19 =	vadd.s32 v18, v21  }
0x1c: {  	s30 =	simm.s32 $0x50;
	v21 =	vadd.s32 v18, v22;
	v22 =	vmov s31;
	v25 =	vbroadcast v19, $0x0  }
0x1d: {  	v24 =	vmov s30;
	v22 =	vmul.u32 $0x32, v22;
	v26 =	vbroadcast v21, $0x0  }
0x1e: {  	v24 =	vmul.u32 $0x32, v24;
	v21 =	vadd.s32 v1, v25;
	v19 =	vld.idx.msk [tilespmem:v20+s2+$0x0], $0xffff  }
0x1f: {  	v25 =	vadd.s32 v18, v22;
	v22 =	vadd.s32 v1, v26;
	v20 =	vld.idx.msk [tilespmem:v23+s2+$0x0], $0xffff  }
0x20: {  	s24 =	simm.s32 $0x6;
	v27 =	vadd.s32 v18, v24  }
0x21: {  	s25 =	simm.s32 $0x70;
	s22 =	smov.u32 s20;
	s23 =	smov.u32 s20;
	v24 =	vbroadcast v25, $0x0;
	v23 =	vbroadcast v27, $0x0  }
.LBB2_3:
0x22: {  	s24 =	sadd.s32 $0x2, s24  }
0x23: {  	s26 =	sadd.s32 $0xFFFFFFF0, s25;
	[tilespmem:s22+$0xFFFFFFF0] =	vst v19;
	v19 =	vld.idx.msk [tilespmem:v21+s2+$0x0], $0xffff;
	s23 =	sadd.s32 $0x20, s23;
	p0 =	slt.u32 s24, $0x1E  }
.Ltmp0:
0x24: {  	v26 =	vmov s25;
	v25 =	vmov s26;
	v21 =	vadd.s32 v1, v24;
	[tilespmem:s22+$0x0] =	vst v20;
	v20 =	vld.idx.msk [tilespmem:v22+s2+$0x0], $0xffff;
	s22 =	smov.u32 s23;
	(pc) =	sbr.rel @p0 .LBB2_3-.Ltmp0, $3  }
0x25: {  	v22 =	vadd.s32 v1, v23;
	v24 =	vmul.u32 $0x32, v25;
	v25 =	vmul.u32 $0x32, v26;
	_ =	sdelay $0x1  }
0x26: {  	v23 =	vadd.s32 v18, v24;
	v25 =	vadd.s32 v18, v25  }
0x27: {  	s25 =	sadd.s32 $0x20, s25;
	v24 =	vbroadcast v23, $0x0;
	v23 =	vbroadcast v25, $0x0  }
0x28: {  	s24 =	sadd.s32 $0xFFFFFFF0, s25  }
0x29: {  	v25 =	vmov s24  }
0x2a: {  	v26 =	vmov s25;
	v25 =	vmul.u32 $0x32, v25  }
0x2b: {  	v26 =	vmul.u32 $0x32, v26  }
0x2c: {  	v25 =	vadd.s32 v18, v25  }
0x2d: {  	v24 =	vadd.s32 v1, v24;
	v18 =	vadd.s32 v18, v26;
	v25 =	vbroadcast v25, $0x0  }
0x2e: {  	v23 =	vadd.s32 v1, v23;
	v18 =	vbroadcast v18, $0x0  }
0x2f: {  	v25 =	vadd.s32 v1, v25  }
0x30: {  	v21 =	vld.idx.msk [tilespmem:v21+s2+$0x0], $0xffff;
	v18 =	vadd.s32 v1, v18  }
0x31: {  	v22 =	vld.idx.msk [tilespmem:v22+s2+$0x0], $0xffff  }
0x32: {  	v24 =	vld.idx.msk [tilespmem:v24+s2+$0x0], $0xffff  }
0x33: {  	[tilespmem:s22+$0xFFFFFFF0] =	vst v19;
	v19 =	vld.idx.msk [tilespmem:v23+s2+$0x0], $0xffff  }
0x34: {  	s23 =	sadd.s32 $0x20, s23;
	[tilespmem:s22+$0x0] =	vst v20;
	s21 =	sadd.s32 $0x1, s21;
	v63 =	vld.idx.msk [tilespmem:v25+s2+$0x0], $0xffff  }
0x35: {  	p0 =	sne.s32 s21, $0x32;
	[tilespmem:s23+$0xFFFFFFF0] =	vst v21;
	v18 =	vld.idx.msk [tilespmem:v18+s2+$0x0], $0xffff  }
.Ltmp1:
0x36: {  	s30 =	sadd.s32 $0x20, s23;
	[tilespmem:s23+$0x0] =	vst v22;
	(pc) =	sbr.rel @p0 .LBB2_2-.Ltmp1, $4  }
0x37: {  	[tilespmem:s30+$0xFFFFFFF0] =	vst v24  }
0x38: {  	s31 =	sadd.s32 $0x20, s30;
	[tilespmem:s30+$0x0] =	vst v19  }
0x39: {  	[tilespmem:s31+$0xFFFFFFF0] =	vst v63  }
0x3a: {  	s20 =	sadd.s32 $0x200, s20;
	[tilespmem:s31+$0x0] =	vst v18  }
0x3b: {  	[tilespmem:s11], [sflag:$0x1] =	stream.indirect.gather [hbm4b:s3+s9], $0x20, s10, s9, $0xb8;
	[tilespmem:$0x1CE00] =	vst v63  }
0x3c: {  	s20 =	simm.s32 $0x0;
	s21 =	simm.s32 $0x0  }
.LBB2_6:
0x3d: {  	s22 =	sshllo.u32 s21, $0x1  }
0x3e: {  	_ =	swait.ge [sflag:s12], $0x4000;
	s25 =	simm.s32 $0x1;
	s24 =	simm.s32 $0x2  }
0x3f: {  	s26 =	simm.s32 $0x3;
	s28 =	simm.s32 $0x4;
	p0 =	seq.s32 s21, $0x0  }
0x40: {  	v18 =	vmov s20;
	s29 =	simm.s32 $0x5;
	s30 =	simm.s32 $0x6;
	s23 =	sshll.u32 s22, $0x9  }
0x41: {  	[sflag:s12] =	ssyncset.done $0x0;
	v18 =	vshrl.u32 v18, $0x3;
	v19 =	vmov s25;
	v20 =	vmov s24;
	s25 =	simm.s32 $0x7;
	s23 =	sand.u32 $0x3FFFFE00, s23  }
0x42: {  	v21 =	vmov s26;
	v22 =	vmov s28;
	s24 =	simm.s32 @!p0 $0x3;
	[sflag:s12] =	ssyncadd.s32 $0xFFFFC000;
	v23 =	vmov s25;
	s23 =	sadd.s32 $0x6400, s23  }
0x43: {  	v24 =	vmov s29;
	v25 =	vmov s30;
	v23 =	vshrl.u32 v23, $0x3;
	[tilespmem:s13], [sflag:$0x2] =	stream.indirect.gather [hbm4b:s3+s9], $0x20, s23, s9, $0xb8;
	[tilespmem:$0x1CE00] =	vst v63  }
0x44: {  	v18 =	vshll.u32 v18, v2;
	v19 =	vshrl.u32 v19, $0x3;
	v23 =	vshll.u32 v23, v2;
	_ =	swait.ge @!p0 [sflag:s24], $0x4000  }
0x45: {  	v20 =	vshrl.u32 v20, $0x3;
	v19 =	vshll.u32 v19, v2;
	v26 =	vbroadcast v23, $0x0;
	[sflag:s24] =	ssyncset.done @!p0 $0x0  }
0x46: {  	v21 =	vshrl.u32 v21, $0x3;
	v18 =	vbroadcast v18, $0x0;
	s23 =	simm.s32 $0xC880;
	v31 =	vbroadcast v19, $0x0;
	[sflag:s24] =	ssyncadd.s32 @!p0 $0xFFFFC000  }
0x47: {  	v19 =	vshll.u32 v20, v2;
	v23 =	vshrl.u32 v22, $0x3;
	v27 =	vadd.s32 v16, v26;
	v20 =	vld [tilespmem:s23+$0x60]  }
0x48: {  	v29 =	vadd.s32 v0, v18;
	v37 =	vbroadcast v19, $0x0;
	v19 =	vshll.u32 v21, v2;
	v28 =	vld [tilespmem:s23+$0xFFFFFF80]  }
0x49: {  	v32 =	vadd.s32 v4, v31;
	v22 =	vbroadcast v19, $0x0;
	v19 =	vshll.u32 v23, v2;
	v30 =	vld [tilespmem:s23+$0xFFFFFFA0]  }
0x4a: {  	v34 =	vadd.s32 v6, v37;
	v21 =	vbroadcast v19, $0x0;
	v19 =	vshrl.u32 v24, $0x3;
	v33 =	vld [tilespmem:s23+$0xFFFFFFC0]  }
0x4b: {  	v24 =	vshrl.u32 v25, $0x3;
	v35 =	vld [tilespmem:s23+$0xFFFFFFE0];
	v40 =	vadd.s32 v8, v22;
	v19 =	vshll.u32 v19, v2  }
0x4c: {  	s26 =	simm.s32 $0xA;
	v41 =	vld [tilespmem:s23+$0x0];
	v42 =	vadd.s32 v10, v21;
	v23 =	vbroadcast v19, $0x0;
	v19 =	vshll.u32 v24, v2;
	[tilespmem:v27+s14+$0x0] =	vst.idx.msk $0xffff, v20  }
0x4d: {  	s25 =	simm.s32 $0x9;
	v39 =	vmov s26;
	v26 =	vadd.s32 v17, v26;
	v24 =	vbroadcast v19, $0x0;
	[tilespmem:v29+s14+$0x0] =	vst.idx.msk $0xffff, v28;
	v25 =	vld [tilespmem:s23+$0x70]  }
0x4e: {  	s31 =	simm.s32 $0x8;
	v38 =	vmov s25;
	v36 =	vadd.s32 v5, v31;
	[tilespmem:v32+s14+$0x0] =	vst.idx.msk $0xffff, v30;
	v27 =	vld [tilespmem:s23+$0x20];
	v28 =	vadd.s32 v12, v23  }
0x4f: {  	s28 =	simm.s32 $0xB;
	s30 =	simm.s32 $0xD;
	v37 =	vadd.s32 v7, v37;
	v20 =	vmov s31;
	[tilespmem:v34+s14+$0x0] =	vst.idx.msk $0xffff, v33;
	v30 =	vld [tilespmem:s23+$0x40];
	v32 =	vadd.s32 v14, v24  }
0x50: {  	s29 =	simm.s32 $0xC;
	v19 =	vmov s30;
	v29 =	vmov s28;
	s31 =	simm.s32 $0xE;
	[tilespmem:v40+s14+$0x0] =	vst.idx.msk $0xffff, v35;
	v20 =	vshrl.u32 v20, $0x3;
	v34 =	vld [tilespmem:s23+$0xFFFFFFB0]  }
0x51: {  	s25 =	simm.s32 $0xF;
	s24 =	simm.s32 $0x10;
	v33 =	vmov s29;
	v35 =	vld [tilespmem:s23+$0xFFFFFFD0];
	[tilespmem:v42+s14+$0x0] =	vst.idx.msk $0xffff, v41;
	v31 =	vshll.u32 v20, v2;
	v20 =	vmov s31  }
.LBB2_7:
0x52: {  	p0 =	slt.u32 s24, $0x1F8;
	v38 =	vshrl.u32 v38, $0x3;
	v40 =	vmov s25;
	v41 =	vld [tilespmem:s23+$0xFFFFFFF0];
	v22 =	vadd.s32 v9, v22;
	[tilespmem:v26+s14+$0x0] =	vst.idx.msk $0xffff, v25  }
0x53: {  	v25 =	vshrl.u32 v39, $0x3;
	v21 =	vadd.s32 v11, v21;
	v26 =	vshrl.u32 v40, $0x3;
	v39 =	vld [tilespmem:s23+$0x10];
	[tilespmem:v28+s14+$0x0] =	vst.idx.msk $0xffff, v27  }
0x54: {  	v23 =	vadd.s32 v13, v23;
	v27 =	vshrl.u32 v29, $0x3;
	v26 =	vshll.u32 v26, v2;
	v28 =	vld [tilespmem:s23+$0x30];
	[tilespmem:v32+s14+$0x0] =	vst.idx.msk $0xffff, v30  }
0x55: {  	v24 =	vadd.s32 v15, v24;
	v29 =	vshrl.u32 v33, $0x3;
	v26 =	vbroadcast v26, $0x0;
	[tilespmem:v36+s14+$0x0] =	vst.idx.msk $0xffff, v34;
	v30 =	vld [tilespmem:s23+$0x50]  }
0x56: {  	v32 =	vshll.u32 v38, v2;
	v34 =	vadd.s32 v3, v18;
	v18 =	vbroadcast v31, $0x0;
	v33 =	vld [tilespmem:s23+$0xFFFFFF90];
	[tilespmem:v37+s14+$0x0] =	vst.idx.msk $0xffff, v35;
	s23 =	sadd.s32 $0x100, s23  }
0x57: {  	v25 =	vshll.u32 v25, v2;
	v31 =	vbroadcast v32, $0x0;
	v32 =	vld [tilespmem:s23+$0x60];
	v35 =	vadd.s32 v16, v26;
	[tilespmem:v22+s14+$0x0] =	vst.idx.msk $0xffff, v41  }
0x58: {  	v40 =	vbroadcast v25, $0x0;
	v37 =	vadd.s32 v0, v18;
	v22 =	vshll.u32 v27, v2;
	v36 =	vld [tilespmem:s23+$0xFFFFFF80];
	[tilespmem:v21+s14+$0x0] =	vst.idx.msk $0xffff, v39  }
0x59: {  	v39 =	vadd.s32 v4, v31;
	v22 =	vbroadcast v22, $0x0;
	v21 =	vshll.u32 v29, v2;
	v27 =	vld [tilespmem:s23+$0xFFFFFFA0];
	[tilespmem:v23+s14+$0x0] =	vst.idx.msk $0xffff, v28  }
0x5a: {  	v19 =	vshrl.u32 v19, $0x3;
	v42 =	vadd.s32 v6, v40;
	v21 =	vbroadcast v21, $0x0;
	v41 =	vld [tilespmem:s23+$0xFFFFFFC0];
	[tilespmem:v24+s14+$0x0] =	vst.idx.msk $0xffff, v30  }
0x5b: {  	v20 =	vshrl.u32 v20, $0x3;
	v19 =	vshll.u32 v19, v2;
	v44 =	vadd.s32 v8, v22;
	v43 =	vld [tilespmem:s23+$0xFFFFFFE0];
	[tilespmem:v34+s14+$0x0] =	vst.idx.msk $0xffff, v33  }
0x5c: {  	v23 =	vbroadcast v19, $0x0;
	v19 =	vshll.u32 v20, v2;
	v46 =	vadd.s32 v10, v21;
	v45 =	vld [tilespmem:s23+$0x0];
	[tilespmem:v35+s14+$0x0] =	vst.idx.msk $0xffff, v32  }
.Ltmp2:
0x5d: {  	s25 =	sadd.s32 $0x1, s24;
	v26 =	vadd.s32 v17, v26;
	v20 =	vmov s24;
	v24 =	vbroadcast v19, $0x0;
	[tilespmem:v37+s14+$0x0] =	vst.idx.msk $0xffff, v36;
	v25 =	vld [tilespmem:s23+$0x70];
	(pc) =	sbr.rel @p0 .LBB2_7-.Ltmp2, $4  }
0x5e: {  	s26 =	sadd.s32 $0x3, s24;
	v38 =	vmov s25;
	s25 =	sadd.s32 $0x2, s24;
	v20 =	vshrl.u32 v20, $0x3;
	v28 =	vadd.s32 v12, v23;
	[tilespmem:v39+s14+$0x0] =	vst.idx.msk $0xffff, v27;
	v27 =	vld [tilespmem:s23+$0x20]  }
0x5f: {  	v29 =	vmov s26;
	s26 =	sadd.s32 $0x5, s24;
	v32 =	vadd.s32 v14, v24;
	v39 =	vmov s25;
	s25 =	sadd.s32 $0x4, s24;
	[tilespmem:v42+s14+$0x0] =	vst.idx.msk $0xffff, v41;
	v30 =	vld [tilespmem:s23+$0x40]  }
0x60: {  	v19 =	vmov s26;
	v36 =	vadd.s32 v5, v31;
	v33 =	vmov s25;
	s25 =	sadd.s32 $0x6, s24;
	v34 =	vld [tilespmem:s23+$0xFFFFFFB0];
	[tilespmem:v44+s14+$0x0] =	vst.idx.msk $0xffff, v43  }
0x61: {  	v31 =	vshll.u32 v20, v2;
	v37 =	vadd.s32 v7, v40;
	v20 =	vmov s25;
	s25 =	sadd.s32 $0x7, s24;
	s24 =	sadd.s32 $0x8, s24;
	v35 =	vld [tilespmem:s23+$0xFFFFFFD0];
	[tilespmem:v46+s14+$0x0] =	vst.idx.msk $0xffff, v45  }
0x62: {  	_ =	sdelay $0x2  }
0x63: {  	v38 =	vshrl.u32 v38, $0x3;
	v40 =	vmov s25  }
0x64: {  	v41 =	vld [tilespmem:s23+$0xFFFFFFF0];
	v22 =	vadd.s32 v9, v22;
	[tilespmem:v26+s14+$0x0] =	vst.idx.msk $0xffff, v25;
	v59 =	vshrl.u32 v39, $0x3;
	v21 =	vadd.s32 v11, v21  }
0x65: {  	v61 =	vld [tilespmem:s23+$0x10];
	v62 =	vshrl.u32 v29, $0x3;
	v23 =	vadd.s32 v13, v23;
	v63 =	vshrl.u32 v33, $0x3;
	[tilespmem:v28+s14+$0x0] =	vst.idx.msk $0xffff, v27  }
0x66: {  	v31 =	vbroadcast v31, $0x0;
	v18 =	vadd.s32 v3, v18;
	v60 =	vshrl.u32 v40, $0x3;
	v40 =	vld [tilespmem:s23+$0xFFFFFF90];
	[tilespmem:v32+s14+$0x0] =	vst.idx.msk $0xffff, v30  }
0x67: {  	v24 =	vadd.s32 v15, v24;
	s30 =	sadd.s32 $0x100, s23;
	v19 =	vshrl.u32 v19, $0x3;
	v38 =	vshll.u32 v38, v2;
	v28 =	vld [tilespmem:s23+$0x30];
	[tilespmem:v36+s14+$0x0] =	vst.idx.msk $0xffff, v34  }
0x68: {  	v25 =	vshll.u32 v59, v2;
	v44 =	vld [tilespmem:s30+$0xFFFFFF80];
	v32 =	vbroadcast v38, $0x0;
	v45 =	vadd.s32 v0, v31;
	[tilespmem:v37+s14+$0x0] =	vst.idx.msk $0xffff, v35  }
0x69: {  	v20 =	vshrl.u32 v20, $0x3;
	v27 =	vshll.u32 v62, v2;
	v25 =	vbroadcast v25, $0x0;
	v30 =	vld [tilespmem:s23+$0x50];
	[tilespmem:v22+s14+$0x0] =	vst.idx.msk $0xffff, v41  }
0x6a: {  	v46 =	vld [tilespmem:s30+$0xFFFFFFA0];
	v19 =	vshll.u32 v19, v2;
	v27 =	vbroadcast v27, $0x0;
	v47 =	vadd.s32 v4, v32;
	[tilespmem:v21+s14+$0x0] =	vst.idx.msk $0xffff, v61  }
0x6b: {  	v48 =	vld [tilespmem:s30+$0xFFFFFFC0];
	v20 =	vshll.u32 v20, v2;
	v19 =	vbroadcast v19, $0x0;
	v49 =	vadd.s32 v6, v25;
	[tilespmem:v18+s14+$0x0] =	vst.idx.msk $0xffff, v40  }
0x6c: {  	v50 =	vld [tilespmem:s30+$0xFFFFFFE0];
	v26 =	vshll.u32 v60, v2;
	v20 =	vbroadcast v20, $0x0;
	v51 =	vadd.s32 v8, v27;
	[tilespmem:v23+s14+$0x0] =	vst.idx.msk $0xffff, v28  }
0x6d: {  	v29 =	vshll.u32 v63, v2;
	v54 =	vld [tilespmem:s30+$0x20];
	v26 =	vbroadcast v26, $0x0;
	v55 =	vadd.s32 v12, v19;
	[tilespmem:v45+s14+$0x0] =	vst.idx.msk $0xffff, v44  }
0x6e: {  	v56 =	vld [tilespmem:s30+$0x40];
	v29 =	vbroadcast v29, $0x0;
	v57 =	vadd.s32 v14, v20;
	[tilespmem:v24+s14+$0x0] =	vst.idx.msk $0xffff, v30  }
0x6f: {  	v42 =	vld [tilespmem:s30+$0x60];
	v43 =	vadd.s32 v16, v26;
	[tilespmem:v47+s14+$0x0] =	vst.idx.msk $0xffff, v46  }
0x70: {  	v52 =	vadd.s32 v10, v29;
	v18 =	vld [tilespmem:s30+$0x0];
	[tilespmem:v49+s14+$0x0] =	vst.idx.msk $0xffff, v48  }
0x71: {  	v63 =	vadd.s32 v3, v31;
	v62 =	vld [tilespmem:s30+$0xFFFFFF90];
	[tilespmem:v51+s14+$0x0] =	vst.idx.msk $0xffff, v50  }
0x72: {  	v32 =	vadd.s32 v5, v32;
	[tilespmem:v55+s14+$0x0] =	vst.idx.msk $0xffff, v54;
	v58 =	vld [tilespmem:s30+$0xFFFFFFB0]  }
0x73: {  	v25 =	vadd.s32 v7, v25;
	[tilespmem:v57+s14+$0x0] =	vst.idx.msk $0xffff, v56;
	v59 =	vld [tilespmem:s30+$0xFFFFFFD0]  }
0x74: {  	v19 =	vadd.s32 v13, v19;
	[tilespmem:v43+s14+$0x0] =	vst.idx.msk $0xffff, v42;
	v21 =	vld [tilespmem:s30+$0x30]  }
0x75: {  	v20 =	vadd.s32 v15, v20;
	v23 =	vld [tilespmem:s30+$0x50];
	[tilespmem:v52+s14+$0x0] =	vst.idx.msk $0xffff, v18  }
0x76: {  	v26 =	vadd.s32 v17, v26;
	v53 =	vld [tilespmem:s30+$0x70];
	[tilespmem:v63+s14+$0x0] =	vst.idx.msk $0xffff, v62  }
0x77: {  	v27 =	vadd.s32 v9, v27;
	v18 =	vld [tilespmem:s30+$0xFFFFFFF0];
	[tilespmem:v32+s14+$0x0] =	vst.idx.msk $0xffff, v58  }
0x78: {  	v61 =	vadd.s32 v11, v29;
	v60 =	vld [tilespmem:s30+$0x10];
	[tilespmem:v25+s14+$0x0] =	vst.idx.msk $0xffff, v59  }
0x79: {  	s31 =	sshll.u32 s21, $0x14;
	[tilespmem:v19+s14+$0x0] =	vst.idx.msk $0xffff, v21  }
0x7a: {  	s23 =	sor.u32 s6, s31;
	[tilespmem:v20+s14+$0x0] =	vst.idx.msk $0xffff, v23  }
0x7b: {  	s23 =	sshrl.u32 s23, $0x3;
	[tilespmem:v26+s14+$0x0] =	vst.idx.msk $0xffff, v53  }
0x7c: {  	s24 =	simm.s32 $0x14800;
	s23 =	sadd.s32 s4, s23;
	[tilespmem:v27+s14+$0x0] =	vst.idx.msk $0xffff, v18  }
0x7d: {  	s25 =	simm.s32 $0x800;
	s26 =	simm.s32 $0x14A18;
	s28 =	sadd.s32 $0x0, s23;
	[tilespmem:v61+s14+$0x0] =	vst.idx.msk $0xffff, v60  }
.LBB2_9:
0x7e: {  	[hbm4b:s28+s2] =	stream.linear.scatter [tilespmem:s24], [sflag:$0x3], $0x200, $0x38;
	[tilespmem:$0x1CE00] =	vst v63  }
0x7f: {  	s28 =	smov.u32 s25;
	s24 =	smov.u32 s26;
	p0 =	sne.s32 s25, $0xF800  }
.Ltmp3:
0x80: {  	s25 =	sadd.s32 $0x800, s25;
	(pc) =	sbr.rel @p0 .LBB2_9-.Ltmp3, $2  }
0x81: {  	_ =	sdelay $0x2  }
0x82: {  	s26 =	sadd.s32 $0x218, s26;
	s28 =	sadd.s32 s28, s23  }
0x83: {  	[hbm4b:s28+s2] =	stream.linear.scatter [tilespmem:s24], [sflag:$0x3], $0x200, $0x38;
	[tilespmem:$0x1CE00] =	vst v63  }
0x84: {  	p0 =	seq.s32 s21, $0x18;
	s29 =	simm.s32 $0x0  }
0x85: {  	s30 =	simm.s32 $0x1;
	s31 =	simm.s32 $0x2;
	s26 =	simm.s32 $0x4  }
0x86: {  	s28 =	simm.s32 $0x7;
	_ =	swait.ge [sflag:s15], $0x4000;
	s23 =	sshll.u32 @!p0 s21, $0xA  }
0x87: {  	p1 =	seq.s32 @!p0 s21, $0x0;
	s24 =	simm.s32 @!p0 $0x200;
	s25 =	simm.s32 @!p0 $0xC800  }
0x88: {  	v18 =	vmov s29;
	s29 =	simm.s32 $0x5;
	[sflag:s15] =	ssyncset.done $0x0;
	s23 =	sand.u32 @!p0 $0x3FFFFC00, s23  }
0x89: {  	v19 =	vmov s30;
	v20 =	vmov s31;
	v22 =	vmov s26;
	s30 =	simm.s32 $0x6;
	[sflag:s15] =	ssyncadd.s32 $0xFFFFC000;
	s23 =	sadd.s32 @!p0 $0x6800, s23  }
0x8a: {  	v23 =	vmov s28;
	v18 =	vshrl.u32 v18, $0x3;
	v24 =	vmov s29;
	[tilespmem:s25], [sflag:$0x1] =	stream.indirect.gather @!p0 [hbm4b:s3+s24], $0x20, s23, s24, $0xb8;
	[tilespmem:$0x1CE00] =	vst v63  }
0x8b: {  	v23 =	vshrl.u32 v23, $0x3;
	v25 =	vmov s30;
	v19 =	vshrl.u32 v19, $0x3;
	p0 =	por p0, !p1  }
0x8c: {  	v20 =	vshrl.u32 v20, $0x3;
	v18 =	vshll.u32 v18, v2;
	v23 =	vshll.u32 v23, v2;
	_ =	swait.ge @p0 [sflag:s18], $0x4000  }
0x8d: {  	v19 =	vshll.u32 v19, v2;
	s25 =	simm.s32 $0x3;
	v26 =	vbroadcast v23, $0x0;
	v23 =	vshrl.u32 v22, $0x3;
	[sflag:s18] =	ssyncset.done @p0 $0x0  }
0x8e: {  	s23 =	simm.s32 $0x10880;
	v18 =	vbroadcast v18, $0x0;
	v31 =	vbroadcast v19, $0x0;
	v21 =	vmov s25;
	[sflag:s18] =	ssyncadd.s32 @p0 $0xFFFFC000  }
0x8f: {  	v19 =	vshll.u32 v20, v2;
	v21 =	vshrl.u32 v21, $0x3;
	v27 =	vadd.s32 v16, v26;
	v20 =	vld [tilespmem:s23+$0x60]  }
0x90: {  	v37 =	vbroadcast v19, $0x0;
	v29 =	vadd.s32 v0, v18;
	v19 =	vshll.u32 v21, v2;
	v28 =	vld [tilespmem:s23+$0xFFFFFF80]  }
0x91: {  	v32 =	vadd.s32 v4, v31;
	v30 =	vld [tilespmem:s23+$0xFFFFFFA0];
	v22 =	vbroadcast v19, $0x0;
	v19 =	vshll.u32 v23, v2  }
0x92: {  	v34 =	vadd.s32 v6, v37;
	v33 =	vld [tilespmem:s23+$0xFFFFFFC0];
	v21 =	vbroadcast v19, $0x0;
	v19 =	vshrl.u32 v24, $0x3  }
0x93: {  	v35 =	vld [tilespmem:s23+$0xFFFFFFE0];
	v24 =	vshrl.u32 v25, $0x3;
	v40 =	vadd.s32 v8, v22;
	v19 =	vshll.u32 v19, v2  }
0x94: {  	s26 =	simm.s32 $0xA;
	v41 =	vld [tilespmem:s23+$0x0];
	v42 =	vadd.s32 v10, v21;
	v23 =	vbroadcast v19, $0x0;
	v19 =	vshll.u32 v24, v2;
	[tilespmem:v27+s16+$0x0] =	vst.idx.msk $0xffff, v20  }
0x95: {  	v39 =	vmov s26;
	s25 =	simm.s32 $0x9;
	v26 =	vadd.s32 v17, v26;
	v24 =	vbroadcast v19, $0x0;
	[tilespmem:v29+s16+$0x0] =	vst.idx.msk $0xffff, v28;
	v25 =	vld [tilespmem:s23+$0x70]  }
0x96: {  	s31 =	simm.s32 $0x8;
	v38 =	vmov s25;
	v36 =	vadd.s32 v5, v31;
	[tilespmem:v32+s16+$0x0] =	vst.idx.msk $0xffff, v30;
	v27 =	vld [tilespmem:s23+$0x20];
	v28 =	vadd.s32 v12, v23  }
0x97: {  	s28 =	simm.s32 $0xB;
	s30 =	simm.s32 $0xD;
	v37 =	vadd.s32 v7, v37;
	v20 =	vmov s31;
	[tilespmem:v34+s16+$0x0] =	vst.idx.msk $0xffff, v33;
	v30 =	vld [tilespmem:s23+$0x40];
	v32 =	vadd.s32 v14, v24  }
0x98: {  	s29 =	simm.s32 $0xC;
	v19 =	vmov s30;
	v29 =	vmov s28;
	s31 =	simm.s32 $0xE;
	v20 =	vshrl.u32 v20, $0x3;
	v34 =	vld [tilespmem:s23+$0xFFFFFFB0];
	[tilespmem:v40+s16+$0x0] =	vst.idx.msk $0xffff, v35  }
0x99: {  	s24 =	simm.s32 $0x10;
	s25 =	simm.s32 $0xF;
	v33 =	vmov s29;
	v31 =	vshll.u32 v20, v2;
	v20 =	vmov s31;
	v35 =	vld [tilespmem:s23+$0xFFFFFFD0];
	[tilespmem:v42+s16+$0x0] =	vst.idx.msk $0xffff, v41  }
.LBB2_11:
0x9a: {  	p0 =	slt.u32 s24, $0x1F8;
	v38 =	vshrl.u32 v38, $0x3;
	v40 =	vmov s25;
	v41 =	vld [tilespmem:s23+$0xFFFFFFF0];
	v22 =	vadd.s32 v9, v22;
	[tilespmem:v26+s16+$0x0] =	vst.idx.msk $0xffff, v25  }
0x9b: {  	v25 =	vshrl.u32 v39, $0x3;
	v21 =	vadd.s32 v11, v21;
	v26 =	vshrl.u32 v40, $0x3;
	v39 =	vld [tilespmem:s23+$0x10];
	[tilespmem:v28+s16+$0x0] =	vst.idx.msk $0xffff, v27  }
0x9c: {  	v23 =	vadd.s32 v13, v23;
	v27 =	vshrl.u32 v29, $0x3;
	v26 =	vshll.u32 v26, v2;
	v28 =	vld [tilespmem:s23+$0x30];
	[tilespmem:v32+s16+$0x0] =	vst.idx.msk $0xffff, v30  }
0x9d: {  	v24 =	vadd.s32 v15, v24;
	v29 =	vshrl.u32 v33, $0x3;
	v26 =	vbroadcast v26, $0x0;
	[tilespmem:v36+s16+$0x0] =	vst.idx.msk $0xffff, v34;
	v30 =	vld [tilespmem:s23+$0x50]  }
0x9e: {  	v32 =	vshll.u32 v38, v2;
	v34 =	vadd.s32 v3, v18;
	v18 =	vbroadcast v31, $0x0;
	v33 =	vld [tilespmem:s23+$0xFFFFFF90];
	[tilespmem:v37+s16+$0x0] =	vst.idx.msk $0xffff, v35;
	s23 =	sadd.s32 $0x100, s23  }
0x9f: {  	v25 =	vshll.u32 v25, v2;
	v31 =	vbroadcast v32, $0x0;
	v32 =	vld [tilespmem:s23+$0x60];
	v35 =	vadd.s32 v16, v26;
	[tilespmem:v22+s16+$0x0] =	vst.idx.msk $0xffff, v41  }
0xa0: {  	v40 =	vbroadcast v25, $0x0;
	v37 =	vadd.s32 v0, v18;
	v22 =	vshll.u32 v27, v2;
	v36 =	vld [tilespmem:s23+$0xFFFFFF80];
	[tilespmem:v21+s16+$0x0] =	vst.idx.msk $0xffff, v39  }
0xa1: {  	v39 =	vadd.s32 v4, v31;
	v22 =	vbroadcast v22, $0x0;
	v21 =	vshll.u32 v29, v2;
	v27 =	vld [tilespmem:s23+$0xFFFFFFA0];
	[tilespmem:v23+s16+$0x0] =	vst.idx.msk $0xffff, v28  }
0xa2: {  	v19 =	vshrl.u32 v19, $0x3;
	v42 =	vadd.s32 v6, v40;
	v21 =	vbroadcast v21, $0x0;
	v41 =	vld [tilespmem:s23+$0xFFFFFFC0];
	[tilespmem:v24+s16+$0x0] =	vst.idx.msk $0xffff, v30  }
0xa3: {  	v20 =	vshrl.u32 v20, $0x3;
	v19 =	vshll.u32 v19, v2;
	v44 =	vadd.s32 v8, v22;
	v43 =	vld [tilespmem:s23+$0xFFFFFFE0];
	[tilespmem:v34+s16+$0x0] =	vst.idx.msk $0xffff, v33  }
0xa4: {  	v23 =	vbroadcast v19, $0x0;
	v19 =	vshll.u32 v20, v2;
	v46 =	vadd.s32 v10, v21;
	v45 =	vld [tilespmem:s23+$0x0];
	[tilespmem:v35+s16+$0x0] =	vst.idx.msk $0xffff, v32  }
.Ltmp4:
0xa5: {  	s25 =	sadd.s32 $0x1, s24;
	v26 =	vadd.s32 v17, v26;
	v20 =	vmov s24;
	v24 =	vbroadcast v19, $0x0;
	[tilespmem:v37+s16+$0x0] =	vst.idx.msk $0xffff, v36;
	v25 =	vld [tilespmem:s23+$0x70];
	(pc) =	sbr.rel @p0 .LBB2_11-.Ltmp4, $4  }
0xa6: {  	s26 =	sadd.s32 $0x3, s24;
	v38 =	vmov s25;
	s25 =	sadd.s32 $0x2, s24;
	v20 =	vshrl.u32 v20, $0x3;
	v28 =	vadd.s32 v12, v23;
	[tilespmem:v39+s16+$0x0] =	vst.idx.msk $0xffff, v27;
	v27 =	vld [tilespmem:s23+$0x20]  }
0xa7: {  	v29 =	vmov s26;
	s26 =	sadd.s32 $0x5, s24;
	v32 =	vadd.s32 v14, v24;
	v39 =	vmov s25;
	s25 =	sadd.s32 $0x4, s24;
	[tilespmem:v42+s16+$0x0] =	vst.idx.msk $0xffff, v41;
	v30 =	vld [tilespmem:s23+$0x40]  }
0xa8: {  	v19 =	vmov s26;
	v36 =	vadd.s32 v5, v31;
	v33 =	vmov s25;
	s25 =	sadd.s32 $0x6, s24;
	v34 =	vld [tilespmem:s23+$0xFFFFFFB0];
	[tilespmem:v44+s16+$0x0] =	vst.idx.msk $0xffff, v43  }
0xa9: {  	v31 =	vshll.u32 v20, v2;
	v37 =	vadd.s32 v7, v40;
	v20 =	vmov s25;
	s25 =	sadd.s32 $0x7, s24;
	s24 =	sadd.s32 $0x8, s24;
	v35 =	vld [tilespmem:s23+$0xFFFFFFD0];
	[tilespmem:v46+s16+$0x0] =	vst.idx.msk $0xffff, v45  }
0xaa: {  	_ =	sdelay $0x2  }
0xab: {  	v38 =	vshrl.u32 v38, $0x3;
	v40 =	vmov s25  }
0xac: {  	v41 =	vld [tilespmem:s23+$0xFFFFFFF0];
	v22 =	vadd.s32 v9, v22;
	[tilespmem:v26+s16+$0x0] =	vst.idx.msk $0xffff, v25;
	v59 =	vshrl.u32 v39, $0x3;
	v21 =	vadd.s32 v11, v21  }
0xad: {  	v61 =	vld [tilespmem:s23+$0x10];
	v62 =	vshrl.u32 v29, $0x3;
	v23 =	vadd.s32 v13, v23;
	v63 =	vshrl.u32 v33, $0x3;
	[tilespmem:v28+s16+$0x0] =	vst.idx.msk $0xffff, v27  }
0xae: {  	v31 =	vbroadcast v31, $0x0;
	v18 =	vadd.s32 v3, v18;
	v60 =	vshrl.u32 v40, $0x3;
	v40 =	vld [tilespmem:s23+$0xFFFFFF90];
	[tilespmem:v32+s16+$0x0] =	vst.idx.msk $0xffff, v30  }
0xaf: {  	v24 =	vadd.s32 v15, v24;
	s31 =	sadd.s32 $0x100, s23;
	v19 =	vshrl.u32 v19, $0x3;
	v38 =	vshll.u32 v38, v2;
	v28 =	vld [tilespmem:s23+$0x30];
	[tilespmem:v36+s16+$0x0] =	vst.idx.msk $0xffff, v34  }
0xb0: {  	v25 =	vshll.u32 v59, v2;
	v44 =	vld [tilespmem:s31+$0xFFFFFF80];
	v32 =	vbroadcast v38, $0x0;
	v45 =	vadd.s32 v0, v31;
	[tilespmem:v37+s16+$0x0] =	vst.idx.msk $0xffff, v35  }
0xb1: {  	v20 =	vshrl.u32 v20, $0x3;
	v27 =	vshll.u32 v62, v2;
	v25 =	vbroadcast v25, $0x0;
	v30 =	vld [tilespmem:s23+$0x50];
	[tilespmem:v22+s16+$0x0] =	vst.idx.msk $0xffff, v41  }
0xb2: {  	v46 =	vld [tilespmem:s31+$0xFFFFFFA0];
	v19 =	vshll.u32 v19, v2;
	v27 =	vbroadcast v27, $0x0;
	v47 =	vadd.s32 v4, v32;
	[tilespmem:v21+s16+$0x0] =	vst.idx.msk $0xffff, v61  }
0xb3: {  	v48 =	vld [tilespmem:s31+$0xFFFFFFC0];
	v20 =	vshll.u32 v20, v2;
	v19 =	vbroadcast v19, $0x0;
	v49 =	vadd.s32 v6, v25;
	[tilespmem:v18+s16+$0x0] =	vst.idx.msk $0xffff, v40  }
0xb4: {  	v50 =	vld [tilespmem:s31+$0xFFFFFFE0];
	v26 =	vshll.u32 v60, v2;
	v20 =	vbroadcast v20, $0x0;
	v51 =	vadd.s32 v8, v27;
	[tilespmem:v23+s16+$0x0] =	vst.idx.msk $0xffff, v28  }
0xb5: {  	v29 =	vshll.u32 v63, v2;
	v54 =	vld [tilespmem:s31+$0x20];
	v26 =	vbroadcast v26, $0x0;
	v55 =	vadd.s32 v12, v19;
	[tilespmem:v45+s16+$0x0] =	vst.idx.msk $0xffff, v44  }
0xb6: {  	v56 =	vld [tilespmem:s31+$0x40];
	v29 =	vbroadcast v29, $0x0;
	v57 =	vadd.s32 v14, v20;
	[tilespmem:v24+s16+$0x0] =	vst.idx.msk $0xffff, v30  }
0xb7: {  	v42 =	vld [tilespmem:s31+$0x60];
	v43 =	vadd.s32 v16, v26;
	[tilespmem:v47+s16+$0x0] =	vst.idx.msk $0xffff, v46  }
0xb8: {  	v52 =	vadd.s32 v10, v29;
	v18 =	vld [tilespmem:s31+$0x0];
	[tilespmem:v49+s16+$0x0] =	vst.idx.msk $0xffff, v48  }
0xb9: {  	v63 =	vadd.s32 v3, v31;
	v62 =	vld [tilespmem:s31+$0xFFFFFF90];
	[tilespmem:v51+s16+$0x0] =	vst.idx.msk $0xffff, v50  }
0xba: {  	v32 =	vadd.s32 v5, v32;
	[tilespmem:v55+s16+$0x0] =	vst.idx.msk $0xffff, v54;
	v58 =	vld [tilespmem:s31+$0xFFFFFFB0]  }
0xbb: {  	v25 =	vadd.s32 v7, v25;
	[tilespmem:v57+s16+$0x0] =	vst.idx.msk $0xffff, v56;
	v59 =	vld [tilespmem:s31+$0xFFFFFFD0]  }
0xbc: {  	v19 =	vadd.s32 v13, v19;
	[tilespmem:v43+s16+$0x0] =	vst.idx.msk $0xffff, v42;
	v21 =	vld [tilespmem:s31+$0x30]  }
0xbd: {  	v20 =	vadd.s32 v15, v20;
	v23 =	vld [tilespmem:s31+$0x50];
	[tilespmem:v52+s16+$0x0] =	vst.idx.msk $0xffff, v18  }
0xbe: {  	v26 =	vadd.s32 v17, v26;
	v53 =	vld [tilespmem:s31+$0x70];
	[tilespmem:v63+s16+$0x0] =	vst.idx.msk $0xffff, v62  }
0xbf: {  	v27 =	vadd.s32 v9, v27;
	v18 =	vld [tilespmem:s31+$0xFFFFFFF0];
	[tilespmem:v32+s16+$0x0] =	vst.idx.msk $0xffff, v58  }
0xc0: {  	v61 =	vadd.s32 v11, v29;
	v60 =	vld [tilespmem:s31+$0x10];
	[tilespmem:v25+s16+$0x0] =	vst.idx.msk $0xffff, v59  }
0xc1: {  	s22 =	sshll.u32 s22, $0x13;
	[tilespmem:v19+s16+$0x0] =	vst.idx.msk $0xffff, v21  }
0xc2: {  	s22 =	sor.u32 s6, s22;
	[tilespmem:v20+s16+$0x0] =	vst.idx.msk $0xffff, v23  }
0xc3: {  	s22 =	sshrl.u32 s22, $0x3;
	[tilespmem:v26+s16+$0x0] =	vst.idx.msk $0xffff, v53  }
0xc4: {  	s24 =	simm.s32 $0x800;
	s22 =	sadd.s32 s4, s22;
	[tilespmem:v27+s16+$0x0] =	vst.idx.msk $0xffff, v18  }
0xc5: {  	s25 =	simm.s32 $0x18D18;
	s23 =	simm.s32 $0x18B00;
	s26 =	sadd.s32 $0x0, s22;
	[tilespmem:v61+s16+$0x0] =	vst.idx.msk $0xffff, v60  }
.LBB2_13:
0xc6: {  	[hbm4b:s26+s2] =	stream.linear.scatter [tilespmem:s23], [sflag:$0x4], $0x200, $0x38;
	[tilespmem:$0x1CE00] =	vst v63  }
0xc7: {  	s26 =	smov.u32 s24;
	s23 =	smov.u32 s25;
	p0 =	sne.s32 s24, $0xF800  }
.Ltmp5:
0xc8: {  	s24 =	sadd.s32 $0x800, s24;
	(pc) =	sbr.rel @p0 .LBB2_13-.Ltmp5, $2  }
0xc9: {  	_ =	sdelay $0x2  }
0xca: {  	s25 =	sadd.s32 $0x218, s25;
	s26 =	sadd.s32 s26, s22  }
0xcb: {  	s21 =	sadd.s32 $0x1, s21  }
0xcc: {  	p0 =	sne.s32 s21, $0x19  }
.Ltmp6:
0xcd: {  	_ = 	snop;
	(pc) =	sbr.rel @p0 .LBB2_6-.Ltmp6, $2  }
0xce: {  	_ =	sdelay $0x2  }
0xcf: {  	[hbm4b:s26+s2] =	stream.linear.scatter [tilespmem:s23], [sflag:$0x4], $0x200, $0x38;
	[tilespmem:$0x1CE00] =	vst v63  }
0xd0: {  	s19 =	sadd.s32 $0x1, s19  }
0xd1: {  	_ =	swait.ge [sflag:s17], $0x4000;
	p0 =	sne.s32 s19, s7  }
.Ltmp7:
0xd2: {  	[sflag:s17] =	ssyncset.done $0x0;
	(pc) =	sbr.rel @p0 .LBB2_1-.Ltmp7, $4  }
0xd3: {  	[sflag:s17] =	ssyncadd.s32 $0xFFFFC000  }
0xd4: {  	_ =	swait.ge [sflag:s18], $0x4000  }
0xd5: {  	[sflag:s18] =	ssyncset.done $0x0  }
0xd6: {  	[sflag:s18] =	ssyncadd.s32 $0xFFFFC000  }
0xd7: {  	_ =	sfence.sel $0x180000  }
0xd8: {  	[bflag:$0x0] =	sbarrier.arrive $0xFFFF  }
0xd9: {  	p0 =	sne.s32 s1, $0x0;
	_ =	strace $0x90000047  }
0xda: {  	s0 =	sadd.s32 @!p0 $0x100000, s0;
	[bflag:$0x2] =	sbarrier.arrive $0xFFFF  }
0xdb: {  	[sflag:s0] =	ssyncadd.tile.s32 @!p0 $0x1;
	_ =	shalt  }
.Lfunc_end2:
_tile_overlayer_lowered:
.L_overlay_start_2:
0xdc: {  	(tag) =	ssettag $0x2  }
0xdd: {  	s0 =	rddreg [dreg:$0x0];
	s2 =	stileid.u32  }
0xde: {  	s1 =	rddreg [dreg:$0x1];
	p0 =	sne.s32 s2, $0x0  }
0xdf: {  	s3 =	rddreg [dreg:$0x2];
	[bflag:$0x3] =	sbarrier.arrive $0xFFFF;
	s2 =	simm.s32 @!p0 $0x1C05  }
0xe0: {  	[timem:s3], [sflag:s2] =	dma.local @!p0 [hbm:s0], s1  }
0xe1: {  	s0 =	simm.s32 @!p0 $0x5  }
0xe2: {  	_ =	swait.ge @!p0 [sflag:s0], s1  }
0xe3: {  	s1 =	ssub.s32 @!p0 $0x0, s1;
	[sflag:s0] =	ssyncset.done @!p0 $0x0  }
0xe4: {  	[sflag:s0] =	ssyncadd.s32 @!p0 s1  }
0xe5: {  	[bflag:$0x3] =	sbarrier.arrive $0xFFFF  }
0xe6: {  	_ =	shalt  }

</sc_bundles>
